<compile_context>
chip_gen: v7x
topology: tpu7x:2x2x1
jax: 0.10.2.dev20260603
libtpu: 0.0.44.dev20260713+nightly
codegen_flags: <defaults>
</compile_context>

<pallas_src>
import jax
import jax.numpy as jnp
from jax import lax
from jax.experimental import pallas as pl
from jax.experimental.pallas import tpu as pltpu
from jax.experimental.pallas import tpu_sc as plsc

VOCAB = 1_000_001
DIM = 64
BATCH = 4096
HIST = 50
TOTAL = BATCH * HIST

_info = plsc.get_sparse_core_info()
NUM_WORKERS = _info.num_cores * _info.num_subcores
B_PER_W = TOTAL // NUM_WORKERS
STREAM = 128
CHUNK = 640
N_STREAMS = CHUNK // STREAM
N_CHUNKS = B_PER_W // CHUNK


def _body(idx_hbm, table_hbm, out_hbm, idx_v, rows0, rows1, sg0, sg1):
    rows = (rows0, rows1)
    sg = (sg0, sg1)
    wid = lax.axis_index("s") * _info.num_cores + lax.axis_index("c")
    base = wid * B_PER_W
    pltpu.sync_copy(idx_hbm.at[pl.ds(base, B_PER_W)], idx_v)

    def fire_gather(j, b):
        off = j * CHUNK
        for s in range(N_STREAMS):
            pltpu.async_copy(
                table_hbm.at[idx_v.at[pl.ds(off + s * STREAM, STREAM)]],
                rows[b].at[pl.ds(s * STREAM, STREAM)],
                sg[b],
            )

    def wait_gather(b):
        for s in range(N_STREAMS):
            pltpu.make_async_copy(
                table_hbm.at[pl.ds(0, STREAM)],
                rows[b].at[pl.ds(s * STREAM, STREAM)],
                sg[b],
            ).wait()

    def write_out(j, b):
        pltpu.sync_copy(rows[b], out_hbm.at[pl.ds(base + j * CHUNK, CHUNK)])

    fire_gather(0, 0)

    @pl.loop(0, N_CHUNKS - 2, step=2)
    def _pair(j):
        fire_gather(j + 1, 1)
        wait_gather(0)
        write_out(j, 0)
        fire_gather(j + 2, 0)
        wait_gather(1)
        write_out(j + 1, 1)

    fire_gather(N_CHUNKS - 1, 1)
    wait_gather(0)
    write_out(N_CHUNKS - 2, 0)
    wait_gather(1)
    write_out(N_CHUNKS - 1, 1)


@jax.jit
def _embed(idx_flat, table):
    f = pl.kernel(
        _body,
        out_type=jax.ShapeDtypeStruct((TOTAL, DIM), jnp.float32),
        mesh=plsc.VectorSubcoreMesh(core_axis_name="c", subcore_axis_name="s"),
        scratch_types=[
            pltpu.VMEM((B_PER_W,), jnp.int32),
            pltpu.VMEM((CHUNK, DIM), jnp.float32),
            pltpu.VMEM((CHUNK, DIM), jnp.float32),
            pltpu.SemaphoreType.DMA,
            pltpu.SemaphoreType.DMA,
        ],
        compiler_params=pltpu.CompilerParams(
            use_tc_tiling_on_sc=False,
            disable_bounds_checks=True,
        ),
    )
    return f(idx_flat, table)


def kernel(x, table):
    out = _embed(x.reshape(TOTAL), table)
    return out.reshape(BATCH, HIST, DIM)

# --- scband reference (transcript-rebuilt; emitter-appended) ---
"""Pipeline reference for scband-embed-layer-24292335026822 (READ-ONLY COPY).

The authoritative reference and input builder live on the scoring server;
editing this copy changes nothing except your own understanding.
"""

import jax, jax.numpy as jnp
import numpy as np

VOCAB_SIZE = 1000000
EMBED_DIM = 64
BATCH = 4096
HIST = 50


def setup_inputs(seed: int = 0) -> dict:
    key = jax.random.key(seed)
    k_idx, k_tab = jax.random.split(key)
    # token indices, in-range for table of size VOCAB_SIZE + 1
    x = jax.random.randint(k_idx, (BATCH, HIST), 0, VOCAB_SIZE, dtype=jnp.int32)
    # embedding table (vocab_size + 1, embedding_dim), mimicking pretrained init stats
    emb_mean, emb_std = -0.005838499, 0.48782197
    table = emb_mean + emb_std * jax.random.normal(k_tab, (VOCAB_SIZE + 1, EMBED_DIM), dtype=jnp.float32)
    return {"x": x, "table": table}


def reference(x, table):
    # Embed_Layer.forward: dropout(embedding(x)); dropout treated as identity (eval / deterministic)
    out = jnp.take(table, x, axis=0)
    return out

if __name__ == "__main__":
    import jax
    _d = setup_inputs()
    print(jax.jit(kernel)(*tuple(_d.values())))

</pallas_src>

<mosaic_0001>
#map = affine_map<(d0, d1) -> (0)>
#map1 = affine_map<(d0, d1) -> (0, 0)>
module attributes {stable_mosaic.version = 14 : i64} {
  func.func @_body(%arg0: i32, %arg1: i32, %arg2: memref<204800xi32, #tpu.memory_space<hbm>>, %arg3: memref<1000001x64xf32, #tpu.memory_space<hbm>>, %arg4: memref<204800x64xf32, #tpu.memory_space<hbm>>, %arg5: memref<6400xi32, #tpu.memory_space<vmem>>, %arg6: memref<640x64xf32, #tpu.memory_space<vmem>>, %arg7: memref<640x64xf32, #tpu.memory_space<vmem>>, %arg8: memref<!tpu.dma_semaphore, #tpu.memory_space<semaphore_mem>>, %arg9: memref<!tpu.dma_semaphore, #tpu.memory_space<semaphore_mem>>) attributes {dimension_semantics = [#tpu.dimension_semantics<core_parallel>, #tpu.dimension_semantics<subcore_parallel>], iteration_bounds = array<i64: 2, 16>, scalar_prefetch = 0 : i64, scratch_operands = 5 : i64, tpu.core_type = #tpu.core_type<sc_vector_subcore>, window_params = [{transform_indices = #map}, {transform_indices = #map1}, {transform_indices = #map1}]} {
    %mul3A = arith.constant 2 : i32
    %mul3A_0 = arith.muli %arg1, %mul3A : i32
    %add3A = arith.addi %mul3A_0, %arg0 : i32
    %mul3A_1 = arith.constant 6400 : i32
    %mul3A_2 = arith.muli %add3A, %mul3A_1 : i32
    "tpu.region"() ({
      %run_scoped3A = tpu.sem_alloc : memref<!tpu.dma_semaphore, #tpu.memory_space<semaphore_mem>>
      %dma_start3A_209 = tpu.memref_slice %arg2[%mul3A_2] : memref<204800xi32, #tpu.memory_space<hbm>> -> memref<6400xi32, #tpu.memory_space<hbm>>
      %dma_start3A_210 = tpu.memref_slice %arg2[%mul3A_2] : memref<204800xi32, #tpu.memory_space<hbm>> -> memref<6400xi32, #tpu.memory_space<hbm>>
      tpu.enqueue_dma source(%dma_start3A_210 : memref<6400xi32, #tpu.memory_space<hbm>>) target(%arg5 : memref<6400xi32, #tpu.memory_space<vmem>>) target_semaphore(%run_scoped3A : memref<!tpu.dma_semaphore, #tpu.memory_space<semaphore_mem>>)
      %dma_wait3A_211 = tpu.memref_slice %arg2[%mul3A_2] : memref<204800xi32, #tpu.memory_space<hbm>> -> memref<6400xi32, #tpu.memory_space<hbm>>
      %dma_wait3A_212 = tpu.memref_slice %arg2[%mul3A_2] : memref<204800xi32, #tpu.memory_space<hbm>> -> memref<6400xi32, #tpu.memory_space<hbm>>
      tpu.wait_dma2 semaphore(%run_scoped3A : memref<!tpu.dma_semaphore, #tpu.memory_space<semaphore_mem>>) src(%dma_wait3A_212 : memref<6400xi32, #tpu.memory_space<hbm>>) dst(%arg5 : memref<6400xi32, #tpu.memory_space<vmem>>)
      tpu.yield
    }) : () -> ()
    %dma_start3A = arith.constant 0 : i32
    %dma_start3A_3 = arith.constant 0 : i32
    %dma_start3A_4 = tpu.memref_slice %arg6[%dma_start3A, %dma_start3A_3] : memref<640x64xf32, #tpu.memory_space<vmem>> -> memref<128x64xf32, #tpu.memory_space<vmem>>
    %dma_start3A_5 = arith.constant 0 : i32
    %dma_start3A_6 = tpu.memref_slice %arg5[%dma_start3A_5] : memref<6400xi32, #tpu.memory_space<vmem>> -> memref<128xi32, #tpu.memory_space<vmem>>
    %dma_start3A_7 = arith.constant 0 : i32
    %dma_start3A_8 = arith.constant 0 : i32
    %dma_start3A_9 = tpu.memref_slice %arg3[%dma_start3A_7, %dma_start3A_8] : memref<1000001x64xf32, #tpu.memory_space<hbm>> -> memref<1000001x64xf32, #tpu.memory_space<hbm>>
    tpu.enqueue_indirect_dma source(%dma_start3A_9 : memref<1000001x64xf32, #tpu.memory_space<hbm>>) target(%dma_start3A_4 : memref<128x64xf32, #tpu.memory_space<vmem>>) offsets(%dma_start3A_6 : memref<128xi32, #tpu.memory_space<vmem>>) semaphore(%arg8 : memref<!tpu.dma_semaphore, #tpu.memory_space<semaphore_mem>>)
    %dma_start3A_10 = arith.constant 128 : i32
    %dma_start3A_11 = arith.constant 0 : i32
    %dma_start3A_12 = tpu.memref_slice %arg6[%dma_start3A_10, %dma_start3A_11] : memref<640x64xf32, #tpu.memory_space<vmem>> -> memref<128x64xf32, #tpu.memory_space<vmem>>
    %dma_start3A_13 = arith.constant 128 : i32
    %dma_start3A_14 = tpu.memref_slice %arg5[%dma_start3A_13] : memref<6400xi32, #tpu.memory_space<vmem>> -> memref<128xi32, #tpu.memory_space<vmem>>
    %dma_start3A_15 = arith.constant 0 : i32
    %dma_start3A_16 = arith.constant 0 : i32
    %dma_start3A_17 = tpu.memref_slice %arg3[%dma_start3A_15, %dma_start3A_16] : memref<1000001x64xf32, #tpu.memory_space<hbm>> -> memref<1000001x64xf32, #tpu.memory_space<hbm>>
    tpu.enqueue_indirect_dma source(%dma_start3A_17 : memref<1000001x64xf32, #tpu.memory_space<hbm>>) target(%dma_start3A_12 : memref<128x64xf32, #tpu.memory_space<vmem>>) offsets(%dma_start3A_14 : memref<128xi32, #tpu.memory_space<vmem>>) semaphore(%arg8 : memref<!tpu.dma_semaphore, #tpu.memory_space<semaphore_mem>>)
    %dma_start3A_18 = arith.constant 256 : i32
    %dma_start3A_19 = arith.constant 0 : i32
    %dma_start3A_20 = tpu.memref_slice %arg6[%dma_start3A_18, %dma_start3A_19] : memref<640x64xf32, #tpu.memory_space<vmem>> -> memref<128x64xf32, #tpu.memory_space<vmem>>
    %dma_start3A_21 = arith.constant 256 : i32
    %dma_start3A_22 = tpu.memref_slice %arg5[%dma_start3A_21] : memref<6400xi32, #tpu.memory_space<vmem>> -> memref<128xi32, #tpu.memory_space<vmem>>
    %dma_start3A_23 = arith.constant 0 : i32
    %dma_start3A_24 = arith.constant 0 : i32
    %dma_start3A_25 = tpu.memref_slice %arg3[%dma_start3A_23, %dma_start3A_24] : memref<1000001x64xf32, #tpu.memory_space<hbm>> -> memref<1000001x64xf32, #tpu.memory_space<hbm>>
    tpu.enqueue_indirect_dma source(%dma_start3A_25 : memref<1000001x64xf32, #tpu.memory_space<hbm>>) target(%dma_start3A_20 : memref<128x64xf32, #tpu.memory_space<vmem>>) offsets(%dma_start3A_22 : memref<128xi32, #tpu.memory_space<vmem>>) semaphore(%arg8 : memref<!tpu.dma_semaphore, #tpu.memory_space<semaphore_mem>>)
    %dma_start3A_26 = arith.constant 384 : i32
    %dma_start3A_27 = arith.constant 0 : i32
    %dma_start3A_28 = tpu.memref_slice %arg6[%dma_start3A_26, %dma_start3A_27] : memref<640x64xf32, #tpu.memory_space<vmem>> -> memref<128x64xf32, #tpu.memory_space<vmem>>
    %dma_start3A_29 = arith.constant 384 : i32
    %dma_start3A_30 = tpu.memref_slice %arg5[%dma_start3A_29] : memref<6400xi32, #tpu.memory_space<vmem>> -> memref<128xi32, #tpu.memory_space<vmem>>
    %dma_start3A_31 = arith.constant 0 : i32
    %dma_start3A_32 = arith.constant 0 : i32
    %dma_start3A_33 = tpu.memref_slice %arg3[%dma_start3A_31, %dma_start3A_32] : memref<1000001x64xf32, #tpu.memory_space<hbm>> -> memref<1000001x64xf32, #tpu.memory_space<hbm>>
    tpu.enqueue_indirect_dma source(%dma_start3A_33 : memref<1000001x64xf32, #tpu.memory_space<hbm>>) target(%dma_start3A_28 : memref<128x64xf32, #tpu.memory_space<vmem>>) offsets(%dma_start3A_30 : memref<128xi32, #tpu.memory_space<vmem>>) semaphore(%arg8 : memref<!tpu.dma_semaphore, #tpu.memory_space<semaphore_mem>>)
    %dma_start3A_34 = arith.constant 512 : i32
    %dma_start3A_35 = arith.constant 0 : i32
    %dma_start3A_36 = tpu.memref_slice %arg6[%dma_start3A_34, %dma_start3A_35] : memref<640x64xf32, #tpu.memory_space<vmem>> -> memref<128x64xf32, #tpu.memory_space<vmem>>
    %dma_start3A_37 = arith.constant 512 : i32
    %dma_start3A_38 = tpu.memref_slice %arg5[%dma_start3A_37] : memref<6400xi32, #tpu.memory_space<vmem>> -> memref<128xi32, #tpu.memory_space<vmem>>
    %dma_start3A_39 = arith.constant 0 : i32
    %dma_start3A_40 = arith.constant 0 : i32
    %dma_start3A_41 = tpu.memref_slice %arg3[%dma_start3A_39, %dma_start3A_40] : memref<1000001x64xf32, #tpu.memory_space<hbm>> -> memref<1000001x64xf32, #tpu.memory_space<hbm>>
    tpu.enqueue_indirect_dma source(%dma_start3A_41 : memref<1000001x64xf32, #tpu.memory_space<hbm>>) target(%dma_start3A_36 : memref<128x64xf32, #tpu.memory_space<vmem>>) offsets(%dma_start3A_38 : memref<128xi32, #tpu.memory_space<vmem>>) semaphore(%arg8 : memref<!tpu.dma_semaphore, #tpu.memory_space<semaphore_mem>>)
    %scan3A = arith.constant 0 : i32
    %scan3A_42 = arith.constant 4 : i32
    %scan3A_43 = arith.addi %scan3A, %scan3A_42 : i32
    %scan3A_44 = arith.constant 1 : i32
    scf.for %scan3A_209 = %scan3A to %scan3A_43 step %scan3A_44  : i32 {
      %mul3A_210 = arith.constant 2 : i32
      %mul3A_211 = arith.muli %scan3A_209, %mul3A_210 : i32
      %add3A_212 = arith.constant 0 : i32
      %add3A_213 = arith.addi %add3A_212, %mul3A_211 : i32
      %add3A_214 = arith.constant 1 : i32
      %add3A_215 = arith.addi %add3A_213, %add3A_214 : i32
      %mul3A_216 = arith.constant 640 : i32
      %mul3A_217 = arith.muli %add3A_215, %mul3A_216 : i32
      %add3A_218 = arith.constant 0 : i32
      %add3A_219 = arith.addi %mul3A_217, %add3A_218 : i32
      %dma_start3A_220 = arith.constant 0 : i32
      %dma_start3A_221 = arith.constant 0 : i32
      %dma_start3A_222 = tpu.memref_slice %arg7[%dma_start3A_220, %dma_start3A_221] : memref<640x64xf32, #tpu.memory_space<vmem>> -> memref<128x64xf32, #tpu.memory_space<vmem>>
      %dma_start3A_223 = tpu.memref_slice %arg5[%add3A_219] : memref<6400xi32, #tpu.memory_space<vmem>> -> memref<128xi32, #tpu.memory_space<vmem>>
      %dma_start3A_224 = arith.constant 0 : i32
      %dma_start3A_225 = arith.constant 0 : i32
      %dma_start3A_226 = tpu.memref_slice %arg3[%dma_start3A_224, %dma_start3A_225] : memref<1000001x64xf32, #tpu.memory_space<hbm>> -> memref<1000001x64xf32, #tpu.memory_space<hbm>>
      tpu.enqueue_indirect_dma source(%dma_start3A_226 : memref<1000001x64xf32, #tpu.memory_space<hbm>>) target(%dma_start3A_222 : memref<128x64xf32, #tpu.memory_space<vmem>>) offsets(%dma_start3A_223 : memref<128xi32, #tpu.memory_space<vmem>>) semaphore(%arg9 : memref<!tpu.dma_semaphore, #tpu.memory_space<semaphore_mem>>)
      %add3A_227 = arith.constant 128 : i32
      %add3A_228 = arith.addi %mul3A_217, %add3A_227 : i32
      %dma_start3A_229 = arith.constant 128 : i32
      %dma_start3A_230 = arith.constant 0 : i32
      %dma_start3A_231 = tpu.memref_slice %arg7[%dma_start3A_229, %dma_start3A_230] : memref<640x64xf32, #tpu.memory_space<vmem>> -> memref<128x64xf32, #tpu.memory_space<vmem>>
      %dma_start3A_232 = tpu.memref_slice %arg5[%add3A_228] : memref<6400xi32, #tpu.memory_space<vmem>> -> memref<128xi32, #tpu.memory_space<vmem>>
      %dma_start3A_233 = arith.constant 0 : i32
      %dma_start3A_234 = arith.constant 0 : i32
      %dma_start3A_235 = tpu.memref_slice %arg3[%dma_start3A_233, %dma_start3A_234] : memref<1000001x64xf32, #tpu.memory_space<hbm>> -> memref<1000001x64xf32, #tpu.memory_space<hbm>>
      tpu.enqueue_indirect_dma source(%dma_start3A_235 : memref<1000001x64xf32, #tpu.memory_space<hbm>>) target(%dma_start3A_231 : memref<128x64xf32, #tpu.memory_space<vmem>>) offsets(%dma_start3A_232 : memref<128xi32, #tpu.memory_space<vmem>>) semaphore(%arg9 : memref<!tpu.dma_semaphore, #tpu.memory_space<semaphore_mem>>)
      %add3A_236 = arith.constant 256 : i32
      %add3A_237 = arith.addi %mul3A_217, %add3A_236 : i32
      %dma_start3A_238 = arith.constant 256 : i32
      %dma_start3A_239 = arith.constant 0 : i32
      %dma_start3A_240 = tpu.memref_slice %arg7[%dma_start3A_238, %dma_start3A_239] : memref<640x64xf32, #tpu.memory_space<vmem>> -> memref<128x64xf32, #tpu.memory_space<vmem>>
      %dma_start3A_241 = tpu.memref_slice %arg5[%add3A_237] : memref<6400xi32, #tpu.memory_space<vmem>> -> memref<128xi32, #tpu.memory_space<vmem>>
      %dma_start3A_242 = arith.constant 0 : i32
      %dma_start3A_243 = arith.constant 0 : i32
      %dma_start3A_244 = tpu.memref_slice %arg3[%dma_start3A_242, %dma_start3A_243] : memref<1000001x64xf32, #tpu.memory_space<hbm>> -> memref<1000001x64xf32, #tpu.memory_space<hbm>>
      tpu.enqueue_indirect_dma source(%dma_start3A_244 : memref<1000001x64xf32, #tpu.memory_space<hbm>>) target(%dma_start3A_240 : memref<128x64xf32, #tpu.memory_space<vmem>>) offsets(%dma_start3A_241 : memref<128xi32, #tpu.memory_space<vmem>>) semaphore(%arg9 : memref<!tpu.dma_semaphore, #tpu.memory_space<semaphore_mem>>)
      %add3A_245 = arith.constant 384 : i32
      %add3A_246 = arith.addi %mul3A_217, %add3A_245 : i32
      %dma_start3A_247 = arith.constant 384 : i32
      %dma_start3A_248 = arith.constant 0 : i32
      %dma_start3A_249 = tpu.memref_slice %arg7[%dma_start3A_247, %dma_start3A_248] : memref<640x64xf32, #tpu.memory_space<vmem>> -> memref<128x64xf32, #tpu.memory_space<vmem>>
      %dma_start3A_250 = tpu.memref_slice %arg5[%add3A_246] : memref<6400xi32, #tpu.memory_space<vmem>> -> memref<128xi32, #tpu.memory_space<vmem>>
      %dma_start3A_251 = arith.constant 0 : i32
      %dma_start3A_252 = arith.constant 0 : i32
      %dma_start3A_253 = tpu.memref_slice %arg3[%dma_start3A_251, %dma_start3A_252] : memref<1000001x64xf32, #tpu.memory_space<hbm>> -> memref<1000001x64xf32, #tpu.memory_space<hbm>>
      tpu.enqueue_indirect_dma source(%dma_start3A_253 : memref<1000001x64xf32, #tpu.memory_space<hbm>>) target(%dma_start3A_249 : memref<128x64xf32, #tpu.memory_space<vmem>>) offsets(%dma_start3A_250 : memref<128xi32, #tpu.memory_space<vmem>>) semaphore(%arg9 : memref<!tpu.dma_semaphore, #tpu.memory_space<semaphore_mem>>)
      %add3A_254 = arith.constant 512 : i32
      %add3A_255 = arith.addi %mul3A_217, %add3A_254 : i32
      %dma_start3A_256 = arith.constant 512 : i32
      %dma_start3A_257 = arith.constant 0 : i32
      %dma_start3A_258 = tpu.memref_slice %arg7[%dma_start3A_256, %dma_start3A_257] : memref<640x64xf32, #tpu.memory_space<vmem>> -> memref<128x64xf32, #tpu.memory_space<vmem>>
      %dma_start3A_259 = tpu.memref_slice %arg5[%add3A_255] : memref<6400xi32, #tpu.memory_space<vmem>> -> memref<128xi32, #tpu.memory_space<vmem>>
      %dma_start3A_260 = arith.constant 0 : i32
      %dma_start3A_261 = arith.constant 0 : i32
      %dma_start3A_262 = tpu.memref_slice %arg3[%dma_start3A_260, %dma_start3A_261] : memref<1000001x64xf32, #tpu.memory_space<hbm>> -> memref<1000001x64xf32, #tpu.memory_space<hbm>>
      tpu.enqueue_indirect_dma source(%dma_start3A_262 : memref<1000001x64xf32, #tpu.memory_space<hbm>>) target(%dma_start3A_258 : memref<128x64xf32, #tpu.memory_space<vmem>>) offsets(%dma_start3A_259 : memref<128xi32, #tpu.memory_space<vmem>>) semaphore(%arg9 : memref<!tpu.dma_semaphore, #tpu.memory_space<semaphore_mem>>)
      %dma_wait3A_263 = arith.constant 0 : i32
      %dma_wait3A_264 = arith.constant 0 : i32
      %dma_wait3A_265 = tpu.memref_slice %arg6[%dma_wait3A_263, %dma_wait3A_264] : memref<640x64xf32, #tpu.memory_space<vmem>> -> memref<128x64xf32, #tpu.memory_space<vmem>>
      %dma_wait3A_266 = arith.constant 0 : i32
      %dma_wait3A_267 = arith.constant 0 : i32
      %dma_wait3A_268 = tpu.memref_slice %arg3[%dma_wait3A_266, %dma_wait3A_267] : memref<1000001x64xf32, #tpu.memory_space<hbm>> -> memref<128x64xf32, #tpu.memory_space<hbm>>
      %dma_wait3A_269 = arith.constant 0 : i32
      %dma_wait3A_270 = arith.constant 0 : i32
      %dma_wait3A_271 = tpu.memref_slice %arg6[%dma_wait3A_269, %dma_wait3A_270] : memref<640x64xf32, #tpu.memory_space<vmem>> -> memref<128x64xf32, #tpu.memory_space<vmem>>
      %dma_wait3A_272 = arith.constant 0 : i32
      %dma_wait3A_273 = arith.constant 0 : i32
      %dma_wait3A_274 = tpu.memref_slice %arg3[%dma_wait3A_272, %dma_wait3A_273] : memref<1000001x64xf32, #tpu.memory_space<hbm>> -> memref<128x64xf32, #tpu.memory_space<hbm>>
      tpu.wait_dma2 semaphore(%arg8 : memref<!tpu.dma_semaphore, #tpu.memory_space<semaphore_mem>>) src(%dma_wait3A_274 : memref<128x64xf32, #tpu.memory_space<hbm>>) dst(%dma_wait3A_271 : memref<128x64xf32, #tpu.memory_space<vmem>>)
      %dma_wait3A_275 = arith.constant 128 : i32
      %dma_wait3A_276 = arith.constant 0 : i32
      %dma_wait3A_277 = tpu.memref_slice %arg6[%dma_wait3A_275, %dma_wait3A_276] : memref<640x64xf32, #tpu.memory_space<vmem>> -> memref<128x64xf32, #tpu.memory_space<vmem>>
      %dma_wait3A_278 = arith.constant 0 : i32
      %dma_wait3A_279 = arith.constant 0 : i32
      %dma_wait3A_280 = tpu.memref_slice %arg3[%dma_wait3A_278, %dma_wait3A_279] : memref<1000001x64xf32, #tpu.memory_space<hbm>> -> memref<128x64xf32, #tpu.memory_space<hbm>>
      %dma_wait3A_281 = arith.constant 128 : i32
      %dma_wait3A_282 = arith.constant 0 : i32
      %dma_wait3A_283 = tpu.memref_slice %arg6[%dma_wait3A_281, %dma_wait3A_282] : memref<640x64xf32, #tpu.memory_space<vmem>> -> memref<128x64xf32, #tpu.memory_space<vmem>>
      %dma_wait3A_284 = arith.constant 0 : i32
      %dma_wait3A_285 = arith.constant 0 : i32
      %dma_wait3A_286 = tpu.memref_slice %arg3[%dma_wait3A_284, %dma_wait3A_285] : memref<1000001x64xf32, #tpu.memory_space<hbm>> -> memref<128x64xf32, #tpu.memory_space<hbm>>
      tpu.wait_dma2 semaphore(%arg8 : memref<!tpu.dma_semaphore, #tpu.memory_space<semaphore_mem>>) src(%dma_wait3A_286 : memref<128x64xf32, #tpu.memory_space<hbm>>) dst(%dma_wait3A_283 : memref<128x64xf32, #tpu.memory_space<vmem>>)
      %dma_wait3A_287 = arith.constant 256 : i32
      %dma_wait3A_288 = arith.constant 0 : i32
      %dma_wait3A_289 = tpu.memref_slice %arg6[%dma_wait3A_287, %dma_wait3A_288] : memref<640x64xf32, #tpu.memory_space<vmem>> -> memref<128x64xf32, #tpu.memory_space<vmem>>
      %dma_wait3A_290 = arith.constant 0 : i32
      %dma_wait3A_291 = arith.constant 0 : i32
      %dma_wait3A_292 = tpu.memref_slice %arg3[%dma_wait3A_290, %dma_wait3A_291] : memref<1000001x64xf32, #tpu.memory_space<hbm>> -> memref<128x64xf32, #tpu.memory_space<hbm>>
      %dma_wait3A_293 = arith.constant 256 : i32
      %dma_wait3A_294 = arith.constant 0 : i32
      %dma_wait3A_295 = tpu.memref_slice %arg6[%dma_wait3A_293, %dma_wait3A_294] : memref<640x64xf32, #tpu.memory_space<vmem>> -> memref<128x64xf32, #tpu.memory_space<vmem>>
      %dma_wait3A_296 = arith.constant 0 : i32
      %dma_wait3A_297 = arith.constant 0 : i32
      %dma_wait3A_298 = tpu.memref_slice %arg3[%dma_wait3A_296, %dma_wait3A_297] : memref<1000001x64xf32, #tpu.memory_space<hbm>> -> memref<128x64xf32, #tpu.memory_space<hbm>>
      tpu.wait_dma2 semaphore(%arg8 : memref<!tpu.dma_semaphore, #tpu.memory_space<semaphore_mem>>) src(%dma_wait3A_298 : memref<128x64xf32, #tpu.memory_space<hbm>>) dst(%dma_wait3A_295 : memref<128x64xf32, #tpu.memory_space<vmem>>)
      %dma_wait3A_299 = arith.constant 384 : i32
      %dma_wait3A_300 = arith.constant 0 : i32
      %dma_wait3A_301 = tpu.memref_slice %arg6[%dma_wait3A_299, %dma_wait3A_300] : memref<640x64xf32, #tpu.memory_space<vmem>> -> memref<128x64xf32, #tpu.memory_space<vmem>>
      %dma_wait3A_302 = arith.constant 0 : i32
      %dma_wait3A_303 = arith.constant 0 : i32
      %dma_wait3A_304 = tpu.memref_slice %arg3[%dma_wait3A_302, %dma_wait3A_303] : memref<1000001x64xf32, #tpu.memory_space<hbm>> -> memref<128x64xf32, #tpu.memory_space<hbm>>
      %dma_wait3A_305 = arith.constant 384 : i32
      %dma_wait3A_306 = arith.constant 0 : i32
      %dma_wait3A_307 = tpu.memref_slice %arg6[%dma_wait3A_305, %dma_wait3A_306] : memref<640x64xf32, #tpu.memory_space<vmem>> -> memref<128x64xf32, #tpu.memory_space<vmem>>
      %dma_wait3A_308 = arith.constant 0 : i32
      %dma_wait3A_309 = arith.constant 0 : i32
      %dma_wait3A_310 = tpu.memref_slice %arg3[%dma_wait3A_308, %dma_wait3A_309] : memref<1000001x64xf32, #tpu.memory_space<hbm>> -> memref<128x64xf32, #tpu.memory_space<hbm>>
      tpu.wait_dma2 semaphore(%arg8 : memref<!tpu.dma_semaphore, #tpu.memory_space<semaphore_mem>>) src(%dma_wait3A_310 : memref<128x64xf32, #tpu.memory_space<hbm>>) dst(%dma_wait3A_307 : memref<128x64xf32, #tpu.memory_space<vmem>>)
      %dma_wait3A_311 = arith.constant 512 : i32
      %dma_wait3A_312 = arith.constant 0 : i32
      %dma_wait3A_313 = tpu.memref_slice %arg6[%dma_wait3A_311, %dma_wait3A_312] : memref<640x64xf32, #tpu.memory_space<vmem>> -> memref<128x64xf32, #tpu.memory_space<vmem>>
      %dma_wait3A_314 = arith.constant 0 : i32
      %dma_wait3A_315 = arith.constant 0 : i32
      %dma_wait3A_316 = tpu.memref_slice %arg3[%dma_wait3A_314, %dma_wait3A_315] : memref<1000001x64xf32, #tpu.memory_space<hbm>> -> memref<128x64xf32, #tpu.memory_space<hbm>>
      %dma_wait3A_317 = arith.constant 512 : i32
      %dma_wait3A_318 = arith.constant 0 : i32
      %dma_wait3A_319 = tpu.memref_slice %arg6[%dma_wait3A_317, %dma_wait3A_318] : memref<640x64xf32, #tpu.memory_space<vmem>> -> memref<128x64xf32, #tpu.memory_space<vmem>>
      %dma_wait3A_320 = arith.constant 0 : i32
      %dma_wait3A_321 = arith.constant 0 : i32
      %dma_wait3A_322 = tpu.memref_slice %arg3[%dma_wait3A_320, %dma_wait3A_321] : memref<1000001x64xf32, #tpu.memory_space<hbm>> -> memref<128x64xf32, #tpu.memory_space<hbm>>
      tpu.wait_dma2 semaphore(%arg8 : memref<!tpu.dma_semaphore, #tpu.memory_space<semaphore_mem>>) src(%dma_wait3A_322 : memref<128x64xf32, #tpu.memory_space<hbm>>) dst(%dma_wait3A_319 : memref<128x64xf32, #tpu.memory_space<vmem>>)
      %mul3A_323 = arith.constant 640 : i32
      %mul3A_324 = arith.muli %add3A_213, %mul3A_323 : i32
      %add3A_325 = arith.addi %mul3A_2, %mul3A_324 : i32
      "tpu.region"() ({
        %run_scoped3A = tpu.sem_alloc : memref<!tpu.dma_semaphore, #tpu.memory_space<semaphore_mem>>
        %dma_start3A_440 = arith.constant 0 : i32
        %dma_start3A_441 = tpu.memref_slice %arg4[%add3A_325, %dma_start3A_440] : memref<204800x64xf32, #tpu.memory_space<hbm>> -> memref<640x64xf32, #tpu.memory_space<hbm>>
        %dma_start3A_442 = arith.constant 0 : i32
        %dma_start3A_443 = tpu.memref_slice %arg4[%add3A_325, %dma_start3A_442] : memref<204800x64xf32, #tpu.memory_space<hbm>> -> memref<640x64xf32, #tpu.memory_space<hbm>>
        tpu.enqueue_dma source(%arg6 : memref<640x64xf32, #tpu.memory_space<vmem>>) target(%dma_start3A_443 : memref<640x64xf32, #tpu.memory_space<hbm>>) target_semaphore(%run_scoped3A : memref<!tpu.dma_semaphore, #tpu.memory_space<semaphore_mem>>)
        %dma_wait3A_444 = arith.constant 0 : i32
        %dma_wait3A_445 = tpu.memref_slice %arg4[%add3A_325, %dma_wait3A_444] : memref<204800x64xf32, #tpu.memory_space<hbm>> -> memref<640x64xf32, #tpu.memory_space<hbm>>
        %dma_wait3A_446 = arith.constant 0 : i32
        %dma_wait3A_447 = tpu.memref_slice %arg4[%add3A_325, %dma_wait3A_446] : memref<204800x64xf32, #tpu.memory_space<hbm>> -> memref<640x64xf32, #tpu.memory_space<hbm>>
        tpu.wait_dma2 semaphore(%run_scoped3A : memref<!tpu.dma_semaphore, #tpu.memory_space<semaphore_mem>>) src(%arg6 : memref<640x64xf32, #tpu.memory_space<vmem>>) dst(%dma_wait3A_447 : memref<640x64xf32, #tpu.memory_space<hbm>>)
        tpu.yield
      }) : () -> ()
      %add3A_326 = arith.constant 2 : i32
      %add3A_327 = arith.addi %add3A_213, %add3A_326 : i32
      %mul3A_328 = arith.constant 640 : i32
      %mul3A_329 = arith.muli %add3A_327, %mul3A_328 : i32
      %add3A_330 = arith.constant 0 : i32
      %add3A_331 = arith.addi %mul3A_329, %add3A_330 : i32
      %dma_start3A_332 = arith.constant 0 : i32
      %dma_start3A_333 = arith.constant 0 : i32
      %dma_start3A_334 = tpu.memref_slice %arg6[%dma_start3A_332, %dma_start3A_333] : memref<640x64xf32, #tpu.memory_space<vmem>> -> memref<128x64xf32, #tpu.memory_space<vmem>>
      %dma_start3A_335 = tpu.memref_slice %arg5[%add3A_331] : memref<6400xi32, #tpu.memory_space<vmem>> -> memref<128xi32, #tpu.memory_space<vmem>>
      %dma_start3A_336 = arith.constant 0 : i32
      %dma_start3A_337 = arith.constant 0 : i32
      %dma_start3A_338 = tpu.memref_slice %arg3[%dma_start3A_336, %dma_start3A_337] : memref<1000001x64xf32, #tpu.memory_space<hbm>> -> memref<1000001x64xf32, #tpu.memory_space<hbm>>
      tpu.enqueue_indirect_dma source(%dma_start3A_338 : memref<1000001x64xf32, #tpu.memory_space<hbm>>) target(%dma_start3A_334 : memref<128x64xf32, #tpu.memory_space<vmem>>) offsets(%dma_start3A_335 : memref<128xi32, #tpu.memory_space<vmem>>) semaphore(%arg8 : memref<!tpu.dma_semaphore, #tpu.memory_space<semaphore_mem>>)
      %add3A_339 = arith.constant 128 : i32
      %add3A_340 = arith.addi %mul3A_329, %add3A_339 : i32
      %dma_start3A_341 = arith.constant 128 : i32
      %dma_start3A_342 = arith.constant 0 : i32
      %dma_start3A_343 = tpu.memref_slice %arg6[%dma_start3A_341, %dma_start3A_342] : memref<640x64xf32, #tpu.memory_space<vmem>> -> memref<128x64xf32, #tpu.memory_space<vmem>>
      %dma_start3A_344 = tpu.memref_slice %arg5[%add3A_340] : memref<6400xi32, #tpu.memory_space<vmem>> -> memref<128xi32, #tpu.memory_space<vmem>>
      %dma_start3A_345 = arith.constant 0 : i32
      %dma_start3A_346 = arith.constant 0 : i32
      %dma_start3A_347 = tpu.memref_slice %arg3[%dma_start3A_345, %dma_start3A_346] : memref<1000001x64xf32, #tpu.memory_space<hbm>> -> memref<1000001x64xf32, #tpu.memory_space<hbm>>
      tpu.enqueue_indirect_dma source(%dma_start3A_347 : memref<1000001x64xf32, #tpu.memory_space<hbm>>) target(%dma_start3A_343 : memref<128x64xf32, #tpu.memory_space<vmem>>) offsets(%dma_start3A_344 : memref<128xi32, #tpu.memory_space<vmem>>) semaphore(%arg8 : memref<!tpu.dma_semaphore, #tpu.memory_space<semaphore_mem>>)
      %add3A_348 = arith.constant 256 : i32
      %add3A_349 = arith.addi %mul3A_329, %add3A_348 : i32
      %dma_start3A_350 = arith.constant 256 : i32
      %dma_start3A_351 = arith.constant 0 : i32
      %dma_start3A_352 = tpu.memref_slice %arg6[%dma_start3A_350, %dma_start3A_351] : memref<640x64xf32, #tpu.memory_space<vmem>> -> memref<128x64xf32, #tpu.memory_space<vmem>>
      %dma_start3A_353 = tpu.memref_slice %arg5[%add3A_349] : memref<6400xi32, #tpu.memory_space<vmem>> -> memref<128xi32, #tpu.memory_space<vmem>>
      %dma_start3A_354 = arith.constant 0 : i32
      %dma_start3A_355 = arith.constant 0 : i32
      %dma_start3A_356 = tpu.memref_slice %arg3[%dma_start3A_354, %dma_start3A_355] : memref<1000001x64xf32, #tpu.memory_space<hbm>> -> memref<1000001x64xf32, #tpu.memory_space<hbm>>
      tpu.enqueue_indirect_dma source(%dma_start3A_356 : memref<1000001x64xf32, #tpu.memory_space<hbm>>) target(%dma_start3A_352 : memref<128x64xf32, #tpu.memory_space<vmem>>) offsets(%dma_start3A_353 : memref<128xi32, #tpu.memory_space<vmem>>) semaphore(%arg8 : memref<!tpu.dma_semaphore, #tpu.memory_space<semaphore_mem>>)
      %add3A_357 = arith.constant 384 : i32
      %add3A_358 = arith.addi %mul3A_329, %add3A_357 : i32
      %dma_start3A_359 = arith.constant 384 : i32
      %dma_start3A_360 = arith.constant 0 : i32
      %dma_start3A_361 = tpu.memref_slice %arg6[%dma_start3A_359, %dma_start3A_360] : memref<640x64xf32, #tpu.memory_space<vmem>> -> memref<128x64xf32, #tpu.memory_space<vmem>>
      %dma_start3A_362 = tpu.memref_slice %arg5[%add3A_358] : memref<6400xi32, #tpu.memory_space<vmem>> -> memref<128xi32, #tpu.memory_space<vmem>>
      %dma_start3A_363 = arith.constant 0 : i32
      %dma_start3A_364 = arith.constant 0 : i32
      %dma_start3A_365 = tpu.memref_slice %arg3[%dma_start3A_363, %dma_start3A_364] : memref<1000001x64xf32, #tpu.memory_space<hbm>> -> memref<1000001x64xf32, #tpu.memory_space<hbm>>
      tpu.enqueue_indirect_dma source(%dma_start3A_365 : memref<1000001x64xf32, #tpu.memory_space<hbm>>) target(%dma_start3A_361 : memref<128x64xf32, #tpu.memory_space<vmem>>) offsets(%dma_start3A_362 : memref<128xi32, #tpu.memory_space<vmem>>) semaphore(%arg8 : memref<!tpu.dma_semaphore, #tpu.memory_space<semaphore_mem>>)
      %add3A_366 = arith.constant 512 : i32
      %add3A_367 = arith.addi %mul3A_329, %add3A_366 : i32
      %dma_start3A_368 = arith.constant 512 : i32
      %dma_start3A_369 = arith.constant 0 : i32
      %dma_start3A_370 = tpu.memref_slice %arg6[%dma_start3A_368, %dma_start3A_369] : memref<640x64xf32, #tpu.memory_space<vmem>> -> memref<128x64xf32, #tpu.memory_space<vmem>>
      %dma_start3A_371 = tpu.memref_slice %arg5[%add3A_367] : memref<6400xi32, #tpu.memory_space<vmem>> -> memref<128xi32, #tpu.memory_space<vmem>>
      %dma_start3A_372 = arith.constant 0 : i32
      %dma_start3A_373 = arith.constant 0 : i32
      %dma_start3A_374 = tpu.memref_slice %arg3[%dma_start3A_372, %dma_start3A_373] : memref<1000001x64xf32, #tpu.memory_space<hbm>> -> memref<1000001x64xf32, #tpu.memory_space<hbm>>
      tpu.enqueue_indirect_dma source(%dma_start3A_374 : memref<1000001x64xf32, #tpu.memory_space<hbm>>) target(%dma_start3A_370 : memref<128x64xf32, #tpu.memory_space<vmem>>) offsets(%dma_start3A_371 : memref<128xi32, #tpu.memory_space<vmem>>) semaphore(%arg8 : memref<!tpu.dma_semaphore, #tpu.memory_space<semaphore_mem>>)
      %dma_wait3A_375 = arith.constant 0 : i32
      %dma_wait3A_376 = arith.constant 0 : i32
      %dma_wait3A_377 = tpu.memref_slice %arg7[%dma_wait3A_375, %dma_wait3A_376] : memref<640x64xf32, #tpu.memory_space<vmem>> -> memref<128x64xf32, #tpu.memory_space<vmem>>
      %dma_wait3A_378 = arith.constant 0 : i32
      %dma_wait3A_379 = arith.constant 0 : i32
      %dma_wait3A_380 = tpu.memref_slice %arg3[%dma_wait3A_378, %dma_wait3A_379] : memref<1000001x64xf32, #tpu.memory_space<hbm>> -> memref<128x64xf32, #tpu.memory_space<hbm>>
      %dma_wait3A_381 = arith.constant 0 : i32
      %dma_wait3A_382 = arith.constant 0 : i32
      %dma_wait3A_383 = tpu.memref_slice %arg7[%dma_wait3A_381, %dma_wait3A_382] : memref<640x64xf32, #tpu.memory_space<vmem>> -> memref<128x64xf32, #tpu.memory_space<vmem>>
      %dma_wait3A_384 = arith.constant 0 : i32
      %dma_wait3A_385 = arith.constant 0 : i32
      %dma_wait3A_386 = tpu.memref_slice %arg3[%dma_wait3A_384, %dma_wait3A_385] : memref<1000001x64xf32, #tpu.memory_space<hbm>> -> memref<128x64xf32, #tpu.memory_space<hbm>>
      tpu.wait_dma2 semaphore(%arg9 : memref<!tpu.dma_semaphore, #tpu.memory_space<semaphore_mem>>) src(%dma_wait3A_386 : memref<128x64xf32, #tpu.memory_space<hbm>>) dst(%dma_wait3A_383 : memref<128x64xf32, #tpu.memory_space<vmem>>)
      %dma_wait3A_387 = arith.constant 128 : i32
      %dma_wait3A_388 = arith.constant 0 : i32
      %dma_wait3A_389 = tpu.memref_slice %arg7[%dma_wait3A_387, %dma_wait3A_388] : memref<640x64xf32, #tpu.memory_space<vmem>> -> memref<128x64xf32, #tpu.memory_space<vmem>>
      %dma_wait3A_390 = arith.constant 0 : i32
      %dma_wait3A_391 = arith.constant 0 : i32
      %dma_wait3A_392 = tpu.memref_slice %arg3[%dma_wait3A_390, %dma_wait3A_391] : memref<1000001x64xf32, #tpu.memory_space<hbm>> -> memref<128x64xf32, #tpu.memory_space<hbm>>
      %dma_wait3A_393 = arith.constant 128 : i32
      %dma_wait3A_394 = arith.constant 0 : i32
      %dma_wait3A_395 = tpu.memref_slice %arg7[%dma_wait3A_393, %dma_wait3A_394] : memref<640x64xf32, #tpu.memory_space<vmem>> -> memref<128x64xf32, #tpu.memory_space<vmem>>
      %dma_wait3A_396 = arith.constant 0 : i32
      %dma_wait3A_397 = arith.constant 0 : i32
      %dma_wait3A_398 = tpu.memref_slice %arg3[%dma_wait3A_396, %dma_wait3A_397] : memref<1000001x64xf32, #tpu.memory_space<hbm>> -> memref<128x64xf32, #tpu.memory_space<hbm>>
      tpu.wait_dma2 semaphore(%arg9 : memref<!tpu.dma_semaphore, #tpu.memory_space<semaphore_mem>>) src(%dma_wait3A_398 : memref<128x64xf32, #tpu.memory_space<hbm>>) dst(%dma_wait3A_395 : memref<128x64xf32, #tpu.memory_space<vmem>>)
      %dma_wait3A_399 = arith.constant 256 : i32
      %dma_wait3A_400 = arith.constant 0 : i32
      %dma_wait3A_401 = tpu.memref_slice %arg7[%dma_wait3A_399, %dma_wait3A_400] : memref<640x64xf32, #tpu.memory_space<vmem>> -> memref<128x64xf32, #tpu.memory_space<vmem>>
      %dma_wait3A_402 = arith.constant 0 : i32
      %dma_wait3A_403 = arith.constant 0 : i32
      %dma_wait3A_404 = tpu.memref_slice %arg3[%dma_wait3A_402, %dma_wait3A_403] : memref<1000001x64xf32, #tpu.memory_space<hbm>> -> memref<128x64xf32, #tpu.memory_space<hbm>>
      %dma_wait3A_405 = arith.constant 256 : i32
      %dma_wait3A_406 = arith.constant 0 : i32
      %dma_wait3A_407 = tpu.memref_slice %arg7[%dma_wait3A_405, %dma_wait3A_406] : memref<640x64xf32, #tpu.memory_space<vmem>> -> memref<128x64xf32, #tpu.memory_space<vmem>>
      %dma_wait3A_408 = arith.constant 0 : i32
      %dma_wait3A_409 = arith.constant 0 : i32
      %dma_wait3A_410 = tpu.memref_slice %arg3[%dma_wait3A_408, %dma_wait3A_409] : memref<1000001x64xf32, #tpu.memory_space<hbm>> -> memref<128x64xf32, #tpu.memory_space<hbm>>
      tpu.wait_dma2 semaphore(%arg9 : memref<!tpu.dma_semaphore, #tpu.memory_space<semaphore_mem>>) src(%dma_wait3A_410 : memref<128x64xf32, #tpu.memory_space<hbm>>) dst(%dma_wait3A_407 : memref<128x64xf32, #tpu.memory_space<vmem>>)
      %dma_wait3A_411 = arith.constant 384 : i32
      %dma_wait3A_412 = arith.constant 0 : i32
      %dma_wait3A_413 = tpu.memref_slice %arg7[%dma_wait3A_411, %dma_wait3A_412] : memref<640x64xf32, #tpu.memory_space<vmem>> -> memref<128x64xf32, #tpu.memory_space<vmem>>
      %dma_wait3A_414 = arith.constant 0 : i32
      %dma_wait3A_415 = arith.constant 0 : i32
      %dma_wait3A_416 = tpu.memref_slice %arg3[%dma_wait3A_414, %dma_wait3A_415] : memref<1000001x64xf32, #tpu.memory_space<hbm>> -> memref<128x64xf32, #tpu.memory_space<hbm>>
      %dma_wait3A_417 = arith.constant 384 : i32
      %dma_wait3A_418 = arith.constant 0 : i32
      %dma_wait3A_419 = tpu.memref_slice %arg7[%dma_wait3A_417, %dma_wait3A_418] : memref<640x64xf32, #tpu.memory_space<vmem>> -> memref<128x64xf32, #tpu.memory_space<vmem>>
      %dma_wait3A_420 = arith.constant 0 : i32
      %dma_wait3A_421 = arith.constant 0 : i32
      %dma_wait3A_422 = tpu.memref_slice %arg3[%dma_wait3A_420, %dma_wait3A_421] : memref<1000001x64xf32, #tpu.memory_space<hbm>> -> memref<128x64xf32, #tpu.memory_space<hbm>>
      tpu.wait_dma2 semaphore(%arg9 : memref<!tpu.dma_semaphore, #tpu.memory_space<semaphore_mem>>) src(%dma_wait3A_422 : memref<128x64xf32, #tpu.memory_space<hbm>>) dst(%dma_wait3A_419 : memref<128x64xf32, #tpu.memory_space<vmem>>)
      %dma_wait3A_423 = arith.constant 512 : i32
      %dma_wait3A_424 = arith.constant 0 : i32
      %dma_wait3A_425 = tpu.memref_slice %arg7[%dma_wait3A_423, %dma_wait3A_424] : memref<640x64xf32, #tpu.memory_space<vmem>> -> memref<128x64xf32, #tpu.memory_space<vmem>>
      %dma_wait3A_426 = arith.constant 0 : i32
      %dma_wait3A_427 = arith.constant 0 : i32
      %dma_wait3A_428 = tpu.memref_slice %arg3[%dma_wait3A_426, %dma_wait3A_427] : memref<1000001x64xf32, #tpu.memory_space<hbm>> -> memref<128x64xf32, #tpu.memory_space<hbm>>
      %dma_wait3A_429 = arith.constant 512 : i32
      %dma_wait3A_430 = arith.constant 0 : i32
      %dma_wait3A_431 = tpu.memref_slice %arg7[%dma_wait3A_429, %dma_wait3A_430] : memref<640x64xf32, #tpu.memory_space<vmem>> -> memref<128x64xf32, #tpu.memory_space<vmem>>
      %dma_wait3A_432 = arith.constant 0 : i32
      %dma_wait3A_433 = arith.constant 0 : i32
      %dma_wait3A_434 = tpu.memref_slice %arg3[%dma_wait3A_432, %dma_wait3A_433] : memref<1000001x64xf32, #tpu.memory_space<hbm>> -> memref<128x64xf32, #tpu.memory_space<hbm>>
      tpu.wait_dma2 semaphore(%arg9 : memref<!tpu.dma_semaphore, #tpu.memory_space<semaphore_mem>>) src(%dma_wait3A_434 : memref<128x64xf32, #tpu.memory_space<hbm>>) dst(%dma_wait3A_431 : memref<128x64xf32, #tpu.memory_space<vmem>>)
      %add3A_435 = arith.constant 1 : i32
      %add3A_436 = arith.addi %add3A_213, %add3A_435 : i32
      %mul3A_437 = arith.constant 640 : i32
      %mul3A_438 = arith.muli %add3A_436, %mul3A_437 : i32
      %add3A_439 = arith.addi %mul3A_2, %mul3A_438 : i32
      "tpu.region"() ({
        %run_scoped3A = tpu.sem_alloc : memref<!tpu.dma_semaphore, #tpu.memory_space<semaphore_mem>>
        %dma_start3A_440 = arith.constant 0 : i32
        %dma_start3A_441 = tpu.memref_slice %arg4[%add3A_439, %dma_start3A_440] : memref<204800x64xf32, #tpu.memory_space<hbm>> -> memref<640x64xf32, #tpu.memory_space<hbm>>
        %dma_start3A_442 = arith.constant 0 : i32
        %dma_start3A_443 = tpu.memref_slice %arg4[%add3A_439, %dma_start3A_442] : memref<204800x64xf32, #tpu.memory_space<hbm>> -> memref<640x64xf32, #tpu.memory_space<hbm>>
        tpu.enqueue_dma source(%arg7 : memref<640x64xf32, #tpu.memory_space<vmem>>) target(%dma_start3A_443 : memref<640x64xf32, #tpu.memory_space<hbm>>) target_semaphore(%run_scoped3A : memref<!tpu.dma_semaphore, #tpu.memory_space<semaphore_mem>>)
        %dma_wait3A_444 = arith.constant 0 : i32
        %dma_wait3A_445 = tpu.memref_slice %arg4[%add3A_439, %dma_wait3A_444] : memref<204800x64xf32, #tpu.memory_space<hbm>> -> memref<640x64xf32, #tpu.memory_space<hbm>>
        %dma_wait3A_446 = arith.constant 0 : i32
        %dma_wait3A_447 = tpu.memref_slice %arg4[%add3A_439, %dma_wait3A_446] : memref<204800x64xf32, #tpu.memory_space<hbm>> -> memref<640x64xf32, #tpu.memory_space<hbm>>
        tpu.wait_dma2 semaphore(%run_scoped3A : memref<!tpu.dma_semaphore, #tpu.memory_space<semaphore_mem>>) src(%arg7 : memref<640x64xf32, #tpu.memory_space<vmem>>) dst(%dma_wait3A_447 : memref<640x64xf32, #tpu.memory_space<hbm>>)
        tpu.yield
      }) : () -> ()
    }
    %scan3A_45 = arith.constant 4 : i32
    %dma_start3A_46 = arith.constant 0 : i32
    %dma_start3A_47 = arith.constant 0 : i32
    %dma_start3A_48 = tpu.memref_slice %arg7[%dma_start3A_46, %dma_start3A_47] : memref<640x64xf32, #tpu.memory_space<vmem>> -> memref<128x64xf32, #tpu.memory_space<vmem>>
    %dma_start3A_49 = arith.constant 5760 : i32
    %dma_start3A_50 = tpu.memref_slice %arg5[%dma_start3A_49] : memref<6400xi32, #tpu.memory_space<vmem>> -> memref<128xi32, #tpu.memory_space<vmem>>
    %dma_start3A_51 = arith.constant 0 : i32
    %dma_start3A_52 = arith.constant 0 : i32
    %dma_start3A_53 = tpu.memref_slice %arg3[%dma_start3A_51, %dma_start3A_52] : memref<1000001x64xf32, #tpu.memory_space<hbm>> -> memref<1000001x64xf32, #tpu.memory_space<hbm>>
    tpu.enqueue_indirect_dma source(%dma_start3A_53 : memref<1000001x64xf32, #tpu.memory_space<hbm>>) target(%dma_start3A_48 : memref<128x64xf32, #tpu.memory_space<vmem>>) offsets(%dma_start3A_50 : memref<128xi32, #tpu.memory_space<vmem>>) semaphore(%arg9 : memref<!tpu.dma_semaphore, #tpu.memory_space<semaphore_mem>>)
    %dma_start3A_54 = arith.constant 128 : i32
    %dma_start3A_55 = arith.constant 0 : i32
    %dma_start3A_56 = tpu.memref_slice %arg7[%dma_start3A_54, %dma_start3A_55] : memref<640x64xf32, #tpu.memory_space<vmem>> -> memref<128x64xf32, #tpu.memory_space<vmem>>
    %dma_start3A_57 = arith.constant 5888 : i32
    %dma_start3A_58 = tpu.memref_slice %arg5[%dma_start3A_57] : memref<6400xi32, #tpu.memory_space<vmem>> -> memref<128xi32, #tpu.memory_space<vmem>>
    %dma_start3A_59 = arith.constant 0 : i32
    %dma_start3A_60 = arith.constant 0 : i32
    %dma_start3A_61 = tpu.memref_slice %arg3[%dma_start3A_59, %dma_start3A_60] : memref<1000001x64xf32, #tpu.memory_space<hbm>> -> memref<1000001x64xf32, #tpu.memory_space<hbm>>
    tpu.enqueue_indirect_dma source(%dma_start3A_61 : memref<1000001x64xf32, #tpu.memory_space<hbm>>) target(%dma_start3A_56 : memref<128x64xf32, #tpu.memory_space<vmem>>) offsets(%dma_start3A_58 : memref<128xi32, #tpu.memory_space<vmem>>) semaphore(%arg9 : memref<!tpu.dma_semaphore, #tpu.memory_space<semaphore_mem>>)
    %dma_start3A_62 = arith.constant 256 : i32
    %dma_start3A_63 = arith.constant 0 : i32
    %dma_start3A_64 = tpu.memref_slice %arg7[%dma_start3A_62, %dma_start3A_63] : memref<640x64xf32, #tpu.memory_space<vmem>> -> memref<128x64xf32, #tpu.memory_space<vmem>>
    %dma_start3A_65 = arith.constant 6016 : i32
    %dma_start3A_66 = tpu.memref_slice %arg5[%dma_start3A_65] : memref<6400xi32, #tpu.memory_space<vmem>> -> memref<128xi32, #tpu.memory_space<vmem>>
    %dma_start3A_67 = arith.constant 0 : i32
    %dma_start3A_68 = arith.constant 0 : i32
    %dma_start3A_69 = tpu.memref_slice %arg3[%dma_start3A_67, %dma_start3A_68] : memref<1000001x64xf32, #tpu.memory_space<hbm>> -> memref<1000001x64xf32, #tpu.memory_space<hbm>>
    tpu.enqueue_indirect_dma source(%dma_start3A_69 : memref<1000001x64xf32, #tpu.memory_space<hbm>>) target(%dma_start3A_64 : memref<128x64xf32, #tpu.memory_space<vmem>>) offsets(%dma_start3A_66 : memref<128xi32, #tpu.memory_space<vmem>>) semaphore(%arg9 : memref<!tpu.dma_semaphore, #tpu.memory_space<semaphore_mem>>)
    %dma_start3A_70 = arith.constant 384 : i32
    %dma_start3A_71 = arith.constant 0 : i32
    %dma_start3A_72 = tpu.memref_slice %arg7[%dma_start3A_70, %dma_start3A_71] : memref<640x64xf32, #tpu.memory_space<vmem>> -> memref<128x64xf32, #tpu.memory_space<vmem>>
    %dma_start3A_73 = arith.constant 6144 : i32
    %dma_start3A_74 = tpu.memref_slice %arg5[%dma_start3A_73] : memref<6400xi32, #tpu.memory_space<vmem>> -> memref<128xi32, #tpu.memory_space<vmem>>
    %dma_start3A_75 = arith.constant 0 : i32
    %dma_start3A_76 = arith.constant 0 : i32
    %dma_start3A_77 = tpu.memref_slice %arg3[%dma_start3A_75, %dma_start3A_76] : memref<1000001x64xf32, #tpu.memory_space<hbm>> -> memref<1000001x64xf32, #tpu.memory_space<hbm>>
    tpu.enqueue_indirect_dma source(%dma_start3A_77 : memref<1000001x64xf32, #tpu.memory_space<hbm>>) target(%dma_start3A_72 : memref<128x64xf32, #tpu.memory_space<vmem>>) offsets(%dma_start3A_74 : memref<128xi32, #tpu.memory_space<vmem>>) semaphore(%arg9 : memref<!tpu.dma_semaphore, #tpu.memory_space<semaphore_mem>>)
    %dma_start3A_78 = arith.constant 512 : i32
    %dma_start3A_79 = arith.constant 0 : i32
    %dma_start3A_80 = tpu.memref_slice %arg7[%dma_start3A_78, %dma_start3A_79] : memref<640x64xf32, #tpu.memory_space<vmem>> -> memref<128x64xf32, #tpu.memory_space<vmem>>
    %dma_start3A_81 = arith.constant 6272 : i32
    %dma_start3A_82 = tpu.memref_slice %arg5[%dma_start3A_81] : memref<6400xi32, #tpu.memory_space<vmem>> -> memref<128xi32, #tpu.memory_space<vmem>>
    %dma_start3A_83 = arith.constant 0 : i32
    %dma_start3A_84 = arith.constant 0 : i32
    %dma_start3A_85 = tpu.memref_slice %arg3[%dma_start3A_83, %dma_start3A_84] : memref<1000001x64xf32, #tpu.memory_space<hbm>> -> memref<1000001x64xf32, #tpu.memory_space<hbm>>
    tpu.enqueue_indirect_dma source(%dma_start3A_85 : memref<1000001x64xf32, #tpu.memory_space<hbm>>) target(%dma_start3A_80 : memref<128x64xf32, #tpu.memory_space<vmem>>) offsets(%dma_start3A_82 : memref<128xi32, #tpu.memory_space<vmem>>) semaphore(%arg9 : memref<!tpu.dma_semaphore, #tpu.memory_space<semaphore_mem>>)
    %dma_wait3A = arith.constant 0 : i32
    %dma_wait3A_86 = arith.constant 0 : i32
    %dma_wait3A_87 = tpu.memref_slice %arg6[%dma_wait3A, %dma_wait3A_86] : memref<640x64xf32, #tpu.memory_space<vmem>> -> memref<128x64xf32, #tpu.memory_space<vmem>>
    %dma_wait3A_88 = arith.constant 0 : i32
    %dma_wait3A_89 = arith.constant 0 : i32
    %dma_wait3A_90 = tpu.memref_slice %arg3[%dma_wait3A_88, %dma_wait3A_89] : memref<1000001x64xf32, #tpu.memory_space<hbm>> -> memref<128x64xf32, #tpu.memory_space<hbm>>
    %dma_wait3A_91 = arith.constant 0 : i32
    %dma_wait3A_92 = arith.constant 0 : i32
    %dma_wait3A_93 = tpu.memref_slice %arg6[%dma_wait3A_91, %dma_wait3A_92] : memref<640x64xf32, #tpu.memory_space<vmem>> -> memref<128x64xf32, #tpu.memory_space<vmem>>
    %dma_wait3A_94 = arith.constant 0 : i32
    %dma_wait3A_95 = arith.constant 0 : i32
    %dma_wait3A_96 = tpu.memref_slice %arg3[%dma_wait3A_94, %dma_wait3A_95] : memref<1000001x64xf32, #tpu.memory_space<hbm>> -> memref<128x64xf32, #tpu.memory_space<hbm>>
    tpu.wait_dma2 semaphore(%arg8 : memref<!tpu.dma_semaphore, #tpu.memory_space<semaphore_mem>>) src(%dma_wait3A_96 : memref<128x64xf32, #tpu.memory_space<hbm>>) dst(%dma_wait3A_93 : memref<128x64xf32, #tpu.memory_space<vmem>>)
    %dma_wait3A_97 = arith.constant 128 : i32
    %dma_wait3A_98 = arith.constant 0 : i32
    %dma_wait3A_99 = tpu.memref_slice %arg6[%dma_wait3A_97, %dma_wait3A_98] : memref<640x64xf32, #tpu.memory_space<vmem>> -> memref<128x64xf32, #tpu.memory_space<vmem>>
    %dma_wait3A_100 = arith.constant 0 : i32
    %dma_wait3A_101 = arith.constant 0 : i32
    %dma_wait3A_102 = tpu.memref_slice %arg3[%dma_wait3A_100, %dma_wait3A_101] : memref<1000001x64xf32, #tpu.memory_space<hbm>> -> memref<128x64xf32, #tpu.memory_space<hbm>>
    %dma_wait3A_103 = arith.constant 128 : i32
    %dma_wait3A_104 = arith.constant 0 : i32
    %dma_wait3A_105 = tpu.memref_slice %arg6[%dma_wait3A_103, %dma_wait3A_104] : memref<640x64xf32, #tpu.memory_space<vmem>> -> memref<128x64xf32, #tpu.memory_space<vmem>>
    %dma_wait3A_106 = arith.constant 0 : i32
    %dma_wait3A_107 = arith.constant 0 : i32
    %dma_wait3A_108 = tpu.memref_slice %arg3[%dma_wait3A_106, %dma_wait3A_107] : memref<1000001x64xf32, #tpu.memory_space<hbm>> -> memref<128x64xf32, #tpu.memory_space<hbm>>
    tpu.wait_dma2 semaphore(%arg8 : memref<!tpu.dma_semaphore, #tpu.memory_space<semaphore_mem>>) src(%dma_wait3A_108 : memref<128x64xf32, #tpu.memory_space<hbm>>) dst(%dma_wait3A_105 : memref<128x64xf32, #tpu.memory_space<vmem>>)
    %dma_wait3A_109 = arith.constant 256 : i32
    %dma_wait3A_110 = arith.constant 0 : i32
    %dma_wait3A_111 = tpu.memref_slice %arg6[%dma_wait3A_109, %dma_wait3A_110] : memref<640x64xf32, #tpu.memory_space<vmem>> -> memref<128x64xf32, #tpu.memory_space<vmem>>
    %dma_wait3A_112 = arith.constant 0 : i32
    %dma_wait3A_113 = arith.constant 0 : i32
    %dma_wait3A_114 = tpu.memref_slice %arg3[%dma_wait3A_112, %dma_wait3A_113] : memref<1000001x64xf32, #tpu.memory_space<hbm>> -> memref<128x64xf32, #tpu.memory_space<hbm>>
    %dma_wait3A_115 = arith.constant 256 : i32
    %dma_wait3A_116 = arith.constant 0 : i32
    %dma_wait3A_117 = tpu.memref_slice %arg6[%dma_wait3A_115, %dma_wait3A_116] : memref<640x64xf32, #tpu.memory_space<vmem>> -> memref<128x64xf32, #tpu.memory_space<vmem>>
    %dma_wait3A_118 = arith.constant 0 : i32
    %dma_wait3A_119 = arith.constant 0 : i32
    %dma_wait3A_120 = tpu.memref_slice %arg3[%dma_wait3A_118, %dma_wait3A_119] : memref<1000001x64xf32, #tpu.memory_space<hbm>> -> memref<128x64xf32, #tpu.memory_space<hbm>>
    tpu.wait_dma2 semaphore(%arg8 : memref<!tpu.dma_semaphore, #tpu.memory_space<semaphore_mem>>) src(%dma_wait3A_120 : memref<128x64xf32, #tpu.memory_space<hbm>>) dst(%dma_wait3A_117 : memref<128x64xf32, #tpu.memory_space<vmem>>)
    %dma_wait3A_121 = arith.constant 384 : i32
    %dma_wait3A_122 = arith.constant 0 : i32
    %dma_wait3A_123 = tpu.memref_slice %arg6[%dma_wait3A_121, %dma_wait3A_122] : memref<640x64xf32, #tpu.memory_space<vmem>> -> memref<128x64xf32, #tpu.memory_space<vmem>>
    %dma_wait3A_124 = arith.constant 0 : i32
    %dma_wait3A_125 = arith.constant 0 : i32
    %dma_wait3A_126 = tpu.memref_slice %arg3[%dma_wait3A_124, %dma_wait3A_125] : memref<1000001x64xf32, #tpu.memory_space<hbm>> -> memref<128x64xf32, #tpu.memory_space<hbm>>
    %dma_wait3A_127 = arith.constant 384 : i32
    %dma_wait3A_128 = arith.constant 0 : i32
    %dma_wait3A_129 = tpu.memref_slice %arg6[%dma_wait3A_127, %dma_wait3A_128] : memref<640x64xf32, #tpu.memory_space<vmem>> -> memref<128x64xf32, #tpu.memory_space<vmem>>
    %dma_wait3A_130 = arith.constant 0 : i32
    %dma_wait3A_131 = arith.constant 0 : i32
    %dma_wait3A_132 = tpu.memref_slice %arg3[%dma_wait3A_130, %dma_wait3A_131] : memref<1000001x64xf32, #tpu.memory_space<hbm>> -> memref<128x64xf32, #tpu.memory_space<hbm>>
    tpu.wait_dma2 semaphore(%arg8 : memref<!tpu.dma_semaphore, #tpu.memory_space<semaphore_mem>>) src(%dma_wait3A_132 : memref<128x64xf32, #tpu.memory_space<hbm>>) dst(%dma_wait3A_129 : memref<128x64xf32, #tpu.memory_space<vmem>>)
    %dma_wait3A_133 = arith.constant 512 : i32
    %dma_wait3A_134 = arith.constant 0 : i32
    %dma_wait3A_135 = tpu.memref_slice %arg6[%dma_wait3A_133, %dma_wait3A_134] : memref<640x64xf32, #tpu.memory_space<vmem>> -> memref<128x64xf32, #tpu.memory_space<vmem>>
    %dma_wait3A_136 = arith.constant 0 : i32
    %dma_wait3A_137 = arith.constant 0 : i32
    %dma_wait3A_138 = tpu.memref_slice %arg3[%dma_wait3A_136, %dma_wait3A_137] : memref<1000001x64xf32, #tpu.memory_space<hbm>> -> memref<128x64xf32, #tpu.memory_space<hbm>>
    %dma_wait3A_139 = arith.constant 512 : i32
    %dma_wait3A_140 = arith.constant 0 : i32
    %dma_wait3A_141 = tpu.memref_slice %arg6[%dma_wait3A_139, %dma_wait3A_140] : memref<640x64xf32, #tpu.memory_space<vmem>> -> memref<128x64xf32, #tpu.memory_space<vmem>>
    %dma_wait3A_142 = arith.constant 0 : i32
    %dma_wait3A_143 = arith.constant 0 : i32
    %dma_wait3A_144 = tpu.memref_slice %arg3[%dma_wait3A_142, %dma_wait3A_143] : memref<1000001x64xf32, #tpu.memory_space<hbm>> -> memref<128x64xf32, #tpu.memory_space<hbm>>
    tpu.wait_dma2 semaphore(%arg8 : memref<!tpu.dma_semaphore, #tpu.memory_space<semaphore_mem>>) src(%dma_wait3A_144 : memref<128x64xf32, #tpu.memory_space<hbm>>) dst(%dma_wait3A_141 : memref<128x64xf32, #tpu.memory_space<vmem>>)
    %add3A_145 = arith.constant 5120 : i32
    %add3A_146 = arith.addi %mul3A_2, %add3A_145 : i32
    "tpu.region"() ({
      %run_scoped3A = tpu.sem_alloc : memref<!tpu.dma_semaphore, #tpu.memory_space<semaphore_mem>>
      %dma_start3A_209 = arith.constant 0 : i32
      %dma_start3A_210 = tpu.memref_slice %arg4[%add3A_146, %dma_start3A_209] : memref<204800x64xf32, #tpu.memory_space<hbm>> -> memref<640x64xf32, #tpu.memory_space<hbm>>
      %dma_start3A_211 = arith.constant 0 : i32
      %dma_start3A_212 = tpu.memref_slice %arg4[%add3A_146, %dma_start3A_211] : memref<204800x64xf32, #tpu.memory_space<hbm>> -> memref<640x64xf32, #tpu.memory_space<hbm>>
      tpu.enqueue_dma source(%arg6 : memref<640x64xf32, #tpu.memory_space<vmem>>) target(%dma_start3A_212 : memref<640x64xf32, #tpu.memory_space<hbm>>) target_semaphore(%run_scoped3A : memref<!tpu.dma_semaphore, #tpu.memory_space<semaphore_mem>>)
      %dma_wait3A_213 = arith.constant 0 : i32
      %dma_wait3A_214 = tpu.memref_slice %arg4[%add3A_146, %dma_wait3A_213] : memref<204800x64xf32, #tpu.memory_space<hbm>> -> memref<640x64xf32, #tpu.memory_space<hbm>>
      %dma_wait3A_215 = arith.constant 0 : i32
      %dma_wait3A_216 = tpu.memref_slice %arg4[%add3A_146, %dma_wait3A_215] : memref<204800x64xf32, #tpu.memory_space<hbm>> -> memref<640x64xf32, #tpu.memory_space<hbm>>
      tpu.wait_dma2 semaphore(%run_scoped3A : memref<!tpu.dma_semaphore, #tpu.memory_space<semaphore_mem>>) src(%arg6 : memref<640x64xf32, #tpu.memory_space<vmem>>) dst(%dma_wait3A_216 : memref<640x64xf32, #tpu.memory_space<hbm>>)
      tpu.yield
    }) : () -> ()
    %dma_wait3A_147 = arith.constant 0 : i32
    %dma_wait3A_148 = arith.constant 0 : i32
    %dma_wait3A_149 = tpu.memref_slice %arg7[%dma_wait3A_147, %dma_wait3A_148] : memref<640x64xf32, #tpu.memory_space<vmem>> -> memref<128x64xf32, #tpu.memory_space<vmem>>
    %dma_wait3A_150 = arith.constant 0 : i32
    %dma_wait3A_151 = arith.constant 0 : i32
    %dma_wait3A_152 = tpu.memref_slice %arg3[%dma_wait3A_150, %dma_wait3A_151] : memref<1000001x64xf32, #tpu.memory_space<hbm>> -> memref<128x64xf32, #tpu.memory_space<hbm>>
    %dma_wait3A_153 = arith.constant 0 : i32
    %dma_wait3A_154 = arith.constant 0 : i32
    %dma_wait3A_155 = tpu.memref_slice %arg7[%dma_wait3A_153, %dma_wait3A_154] : memref<640x64xf32, #tpu.memory_space<vmem>> -> memref<128x64xf32, #tpu.memory_space<vmem>>
    %dma_wait3A_156 = arith.constant 0 : i32
    %dma_wait3A_157 = arith.constant 0 : i32
    %dma_wait3A_158 = tpu.memref_slice %arg3[%dma_wait3A_156, %dma_wait3A_157] : memref<1000001x64xf32, #tpu.memory_space<hbm>> -> memref<128x64xf32, #tpu.memory_space<hbm>>
    tpu.wait_dma2 semaphore(%arg9 : memref<!tpu.dma_semaphore, #tpu.memory_space<semaphore_mem>>) src(%dma_wait3A_158 : memref<128x64xf32, #tpu.memory_space<hbm>>) dst(%dma_wait3A_155 : memref<128x64xf32, #tpu.memory_space<vmem>>)
    %dma_wait3A_159 = arith.constant 128 : i32
    %dma_wait3A_160 = arith.constant 0 : i32
    %dma_wait3A_161 = tpu.memref_slice %arg7[%dma_wait3A_159, %dma_wait3A_160] : memref<640x64xf32, #tpu.memory_space<vmem>> -> memref<128x64xf32, #tpu.memory_space<vmem>>
    %dma_wait3A_162 = arith.constant 0 : i32
    %dma_wait3A_163 = arith.constant 0 : i32
    %dma_wait3A_164 = tpu.memref_slice %arg3[%dma_wait3A_162, %dma_wait3A_163] : memref<1000001x64xf32, #tpu.memory_space<hbm>> -> memref<128x64xf32, #tpu.memory_space<hbm>>
    %dma_wait3A_165 = arith.constant 128 : i32
    %dma_wait3A_166 = arith.constant 0 : i32
    %dma_wait3A_167 = tpu.memref_slice %arg7[%dma_wait3A_165, %dma_wait3A_166] : memref<640x64xf32, #tpu.memory_space<vmem>> -> memref<128x64xf32, #tpu.memory_space<vmem>>
    %dma_wait3A_168 = arith.constant 0 : i32
    %dma_wait3A_169 = arith.constant 0 : i32
    %dma_wait3A_170 = tpu.memref_slice %arg3[%dma_wait3A_168, %dma_wait3A_169] : memref<1000001x64xf32, #tpu.memory_space<hbm>> -> memref<128x64xf32, #tpu.memory_space<hbm>>
    tpu.wait_dma2 semaphore(%arg9 : memref<!tpu.dma_semaphore, #tpu.memory_space<semaphore_mem>>) src(%dma_wait3A_170 : memref<128x64xf32, #tpu.memory_space<hbm>>) dst(%dma_wait3A_167 : memref<128x64xf32, #tpu.memory_space<vmem>>)
    %dma_wait3A_171 = arith.constant 256 : i32
    %dma_wait3A_172 = arith.constant 0 : i32
    %dma_wait3A_173 = tpu.memref_slice %arg7[%dma_wait3A_171, %dma_wait3A_172] : memref<640x64xf32, #tpu.memory_space<vmem>> -> memref<128x64xf32, #tpu.memory_space<vmem>>
    %dma_wait3A_174 = arith.constant 0 : i32
    %dma_wait3A_175 = arith.constant 0 : i32
    %dma_wait3A_176 = tpu.memref_slice %arg3[%dma_wait3A_174, %dma_wait3A_175] : memref<1000001x64xf32, #tpu.memory_space<hbm>> -> memref<128x64xf32, #tpu.memory_space<hbm>>
    %dma_wait3A_177 = arith.constant 256 : i32
    %dma_wait3A_178 = arith.constant 0 : i32
    %dma_wait3A_179 = tpu.memref_slice %arg7[%dma_wait3A_177, %dma_wait3A_178] : memref<640x64xf32, #tpu.memory_space<vmem>> -> memref<128x64xf32, #tpu.memory_space<vmem>>
    %dma_wait3A_180 = arith.constant 0 : i32
    %dma_wait3A_181 = arith.constant 0 : i32
    %dma_wait3A_182 = tpu.memref_slice %arg3[%dma_wait3A_180, %dma_wait3A_181] : memref<1000001x64xf32, #tpu.memory_space<hbm>> -> memref<128x64xf32, #tpu.memory_space<hbm>>
    tpu.wait_dma2 semaphore(%arg9 : memref<!tpu.dma_semaphore, #tpu.memory_space<semaphore_mem>>) src(%dma_wait3A_182 : memref<128x64xf32, #tpu.memory_space<hbm>>) dst(%dma_wait3A_179 : memref<128x64xf32, #tpu.memory_space<vmem>>)
    %dma_wait3A_183 = arith.constant 384 : i32
    %dma_wait3A_184 = arith.constant 0 : i32
    %dma_wait3A_185 = tpu.memref_slice %arg7[%dma_wait3A_183, %dma_wait3A_184] : memref<640x64xf32, #tpu.memory_space<vmem>> -> memref<128x64xf32, #tpu.memory_space<vmem>>
    %dma_wait3A_186 = arith.constant 0 : i32
    %dma_wait3A_187 = arith.constant 0 : i32
    %dma_wait3A_188 = tpu.memref_slice %arg3[%dma_wait3A_186, %dma_wait3A_187] : memref<1000001x64xf32, #tpu.memory_space<hbm>> -> memref<128x64xf32, #tpu.memory_space<hbm>>
    %dma_wait3A_189 = arith.constant 384 : i32
    %dma_wait3A_190 = arith.constant 0 : i32
    %dma_wait3A_191 = tpu.memref_slice %arg7[%dma_wait3A_189, %dma_wait3A_190] : memref<640x64xf32, #tpu.memory_space<vmem>> -> memref<128x64xf32, #tpu.memory_space<vmem>>
    %dma_wait3A_192 = arith.constant 0 : i32
    %dma_wait3A_193 = arith.constant 0 : i32
    %dma_wait3A_194 = tpu.memref_slice %arg3[%dma_wait3A_192, %dma_wait3A_193] : memref<1000001x64xf32, #tpu.memory_space<hbm>> -> memref<128x64xf32, #tpu.memory_space<hbm>>
    tpu.wait_dma2 semaphore(%arg9 : memref<!tpu.dma_semaphore, #tpu.memory_space<semaphore_mem>>) src(%dma_wait3A_194 : memref<128x64xf32, #tpu.memory_space<hbm>>) dst(%dma_wait3A_191 : memref<128x64xf32, #tpu.memory_space<vmem>>)
    %dma_wait3A_195 = arith.constant 512 : i32
    %dma_wait3A_196 = arith.constant 0 : i32
    %dma_wait3A_197 = tpu.memref_slice %arg7[%dma_wait3A_195, %dma_wait3A_196] : memref<640x64xf32, #tpu.memory_space<vmem>> -> memref<128x64xf32, #tpu.memory_space<vmem>>
    %dma_wait3A_198 = arith.constant 0 : i32
    %dma_wait3A_199 = arith.constant 0 : i32
    %dma_wait3A_200 = tpu.memref_slice %arg3[%dma_wait3A_198, %dma_wait3A_199] : memref<1000001x64xf32, #tpu.memory_space<hbm>> -> memref<128x64xf32, #tpu.memory_space<hbm>>
    %dma_wait3A_201 = arith.constant 512 : i32
    %dma_wait3A_202 = arith.constant 0 : i32
    %dma_wait3A_203 = tpu.memref_slice %arg7[%dma_wait3A_201, %dma_wait3A_202] : memref<640x64xf32, #tpu.memory_space<vmem>> -> memref<128x64xf32, #tpu.memory_space<vmem>>
    %dma_wait3A_204 = arith.constant 0 : i32
    %dma_wait3A_205 = arith.constant 0 : i32
    %dma_wait3A_206 = tpu.memref_slice %arg3[%dma_wait3A_204, %dma_wait3A_205] : memref<1000001x64xf32, #tpu.memory_space<hbm>> -> memref<128x64xf32, #tpu.memory_space<hbm>>
    tpu.wait_dma2 semaphore(%arg9 : memref<!tpu.dma_semaphore, #tpu.memory_space<semaphore_mem>>) src(%dma_wait3A_206 : memref<128x64xf32, #tpu.memory_space<hbm>>) dst(%dma_wait3A_203 : memref<128x64xf32, #tpu.memory_space<vmem>>)
    %add3A_207 = arith.constant 5760 : i32
    %add3A_208 = arith.addi %mul3A_2, %add3A_207 : i32
    "tpu.region"() ({
      %run_scoped3A = tpu.sem_alloc : memref<!tpu.dma_semaphore, #tpu.memory_space<semaphore_mem>>
      %dma_start3A_209 = arith.constant 0 : i32
      %dma_start3A_210 = tpu.memref_slice %arg4[%add3A_208, %dma_start3A_209] : memref<204800x64xf32, #tpu.memory_space<hbm>> -> memref<640x64xf32, #tpu.memory_space<hbm>>
      %dma_start3A_211 = arith.constant 0 : i32
      %dma_start3A_212 = tpu.memref_slice %arg4[%add3A_208, %dma_start3A_211] : memref<204800x64xf32, #tpu.memory_space<hbm>> -> memref<640x64xf32, #tpu.memory_space<hbm>>
      tpu.enqueue_dma source(%arg7 : memref<640x64xf32, #tpu.memory_space<vmem>>) target(%dma_start3A_212 : memref<640x64xf32, #tpu.memory_space<hbm>>) target_semaphore(%run_scoped3A : memref<!tpu.dma_semaphore, #tpu.memory_space<semaphore_mem>>)
      %dma_wait3A_213 = arith.constant 0 : i32
      %dma_wait3A_214 = tpu.memref_slice %arg4[%add3A_208, %dma_wait3A_213] : memref<204800x64xf32, #tpu.memory_space<hbm>> -> memref<640x64xf32, #tpu.memory_space<hbm>>
      %dma_wait3A_215 = arith.constant 0 : i32
      %dma_wait3A_216 = tpu.memref_slice %arg4[%add3A_208, %dma_wait3A_215] : memref<204800x64xf32, #tpu.memory_space<hbm>> -> memref<640x64xf32, #tpu.memory_space<hbm>>
      tpu.wait_dma2 semaphore(%run_scoped3A : memref<!tpu.dma_semaphore, #tpu.memory_space<semaphore_mem>>) src(%arg7 : memref<640x64xf32, #tpu.memory_space<vmem>>) dst(%dma_wait3A_216 : memref<640x64xf32, #tpu.memory_space<hbm>>)
      tpu.yield
    }) : () -> ()
    return
  }
}

</mosaic_0001>

<sc_bundles>
// kernel: _embed.3.cloned.1.call-start
scs
__scs_entry_jumppad:
0x0: {  	(pc) =	sbr.rel $0x88, $3  }
0x1: {  	(tag) =	ssettag $0x0;
	lr =	simm.s32 $0x1  }
0x2: {  	[smem:$0x3F9F] =	sst lr;
	_ =	strace $0xD0000000  }
0x3: {  	_ = 	snop  }
0x4: {  	_ = 	snop  }
0x5: {  	_ = 	snop  }
0x6: {  	_ = 	snop  }
0x7: {  	_ = 	snop  }
__scs_overlays_trampoline_lowered:
0x8: {  	[smem:$0x3FAE] =	sst s0  }
0x9: {  	[smem:$0x3FAF] =	sst s1  }
0xa: {  	[smem:$0x3FB0] =	sst s2  }
0xb: {  	[smem:$0x3FB1] =	sst s3  }
0xc: {  	[smem:$0x3FB2] =	sst s4  }
0xd: {  	[smem:$0x3FB3] =	sst s5  }
0xe: {  	[smem:$0x3FB4] =	sst s6  }
0xf: {  	[smem:$0x3FB5] =	sst s7  }
0x10: {  	[smem:$0x3FB6] =	sst s8  }
0x11: {  	[smem:$0x3FB7] =	sst s9;
	s0 =	simm.s32 @!p0 $0x0  }
0x12: {  	s1 =	sld [smem:$0x3F9D];
	s0 =	simm.s32 @p0 $0x1  }
0x13: {  	[smem:$0x3FB8] =	sst s0;
	s0 =	simm.s32 @!p1 $0x0  }
0x14: {  	s2 =	sld [smem:$0x3F9C];
	s0 =	simm.s32 @p1 $0x1  }
0x15: {  	[smem:$0x3FB9] =	sst s0;
	s0 =	simm.s32 @!p2 $0x0  }
0x16: {  	s3 =	sld [smem:$0x3FDB];
	s0 =	simm.s32 @p2 $0x1  }
0x17: {  	s4 =	simm.s32 $0x1BF5;
	[smem:$0x3FBB] =	sst s0  }
0x18: {  	s0 =	sld [smem:$0x3F9E];
	_ =	swait.ge [sflag:s4], $0x0  }
0x19: {  	s7 =	sld [smem:$0x3F9F]  }
0x1a: {  	s8 =	sadd.s32 $0xFFFFE003, lr  }
0x1b: {  	s9 =	sadd.s32 $0xFFFFFEF7, lr;
	s5 =	simm.s32 $0xFFFFFFFF;
	p2 =	slt.u32 s8, $0xFFFFF086  }
0x1c: {  	p1 =	slt.u32 s9, $0xF7A;
	s5 =	simm.s32 @!p2 $0x0  }
0x1d: {  	s5 =	simm.s32 @p1 $0x1;
	p0 =	seq.s32 s7, s2  }
0x1e: {  	s7 =	smul.u32 @!p0 $0xF7A, s2;
	p2 =	seq.s32 @!p0 s5, $0x0  }
0x1f: {  	s9 =	smul.u32 $0xF7A, s1;
	s8 =	simm.s32 @!p0 $0x1BF5;
	p2 =	por !p2, p0  }
0x20: {  	[sflag:s8] =	ssyncset.s32 @!p0 $0xFFFFF086;
	s6 =	sadd.s32 @!p0 s3, s7;
	s7 =	simm.s32 @!p0 $0x108  }
0x21: {  	s3 =	sadd.s32 s3, s9;
	s6 =	sadd.s32 @!p0 $0x88, s6;
	s7 =	simm.s32 @p2 $0x1082  }
0x22: {  	[simem:s7], [sflag:s8] =	dma.local @!p0 [hbm:s6], $0xF7A  }
0x23: {  	s9 =	sor.u32 $0xD0000000, s2;
	s6 =	simm.s32 $0x108;
	_ =	swait.ge @!p0 [sflag:s8], $0x0  }
0x24: {  	s3 =	sadd.s32 $0x88, s3;
	s6 =	simm.s32 @!p1 $0x1082;
	[sflag:s4] =	ssyncset.s32 $0xFFFFF086  }
0x25: {  	[simem:s6], [sflag:s4] =	dma.local [hbm:s3], $0xF7A  }
0x26: {  	[smem:$0x3F9F] =	sst s1;
	(tag) =	ssettag s2;
	_ =	strace s9  }
0x27: {  	s1 =	sld [smem:$0x3FAF]  }
0x28: {  	s2 =	sld [smem:$0x3FB0]  }
0x29: {  	s4 =	sld [smem:$0x3FB2]  }
0x2a: {  	p0 =	seq.s32 s5, $0x0;
	s5 =	sld [smem:$0x3FB3]  }
0x2b: {  	s6 =	sld [smem:$0x3FB4]  }
0x2c: {  	s7 =	sld [smem:$0x3FB5]  }
0x2d: {  	s3 =	simm.s32 $0x108;
	s8 =	sld [smem:$0x3FB6]  }
0x2e: {  	s3 =	simm.s32 @!p0 $0x1082;
	s9 =	sld [smem:$0x3FB7]  }
0x2f: {  	lr =	sadd.s32 s0, s3;
	s0 =	sld [smem:$0x3FAE]  }
0x30: {  	s3 =	sld [smem:$0x3FB1]  }
0x31: {  	[smem:$0x3FBA] =	sst s10  }
0x32: {  	s10 =	sld [smem:$0x3FB8];
	_ =	sdelay $0x3  }
0x33: {  	p0 =	seq.s32 s10, $0x1;
	s10 =	sld [smem:$0x3FBA];
	_ =	sdelay $0x3  }
0x34: {  	[smem:$0x3FBA] =	sst s10  }
0x35: {  	s10 =	sld [smem:$0x3FB9];
	_ =	sdelay $0x3  }
0x36: {  	p1 =	seq.s32 s10, $0x1;
	s10 =	sld [smem:$0x3FBA];
	_ =	sdelay $0x3  }
0x37: {  	[smem:$0x3FBA] =	sst s10  }
0x38: {  	s10 =	sld [smem:$0x3FBB]  }
0x39: {  	_ = 	snop;
	(pc) =	sbr.ind lr, $3  }
0x3a: {  	_ = 	snop  }
0x3b: {  	_ = 	snop  }
0x3c: {  	p2 =	seq.s32 s10, $0x1;
	s10 =	sld [smem:$0x3FBA]  }
0x3d: {  	_ =	shalt  }
0x3e: {  	_ =	shalt  }
0x3f: {  	_ =	shalt  }
0x40: {  	_ =	shalt  }
0x41: {  	_ =	shalt  }
0x42: {  	_ =	shalt  }
0x43: {  	_ =	shalt  }
0x44: {  	_ =	shalt  }
0x45: {  	_ =	shalt  }
0x46: {  	_ =	shalt  }
0x47: {  	_ =	shalt  }
0x48: {  	_ =	shalt  }
0x49: {  	_ =	shalt  }
0x4a: {  	_ =	shalt  }
0x4b: {  	_ =	shalt  }
0x4c: {  	_ =	shalt  }
0x4d: {  	_ =	shalt  }
0x4e: {  	_ =	shalt  }
0x4f: {  	_ =	shalt  }
0x50: {  	_ =	shalt  }
0x51: {  	_ =	shalt  }
0x52: {  	_ =	shalt  }
0x53: {  	_ =	shalt  }
0x54: {  	_ =	shalt  }
0x55: {  	_ =	shalt  }
0x56: {  	_ =	shalt  }
0x57: {  	_ =	shalt  }
0x58: {  	_ =	shalt  }
0x59: {  	_ =	shalt  }
0x5a: {  	_ =	shalt  }
0x5b: {  	_ =	shalt  }
0x5c: {  	_ =	shalt  }
0x5d: {  	_ =	shalt  }
0x5e: {  	_ =	shalt  }
0x5f: {  	_ =	shalt  }
0x60: {  	_ =	shalt  }
0x61: {  	_ =	shalt  }
0x62: {  	_ =	shalt  }
0x63: {  	_ =	shalt  }
0x64: {  	_ =	shalt  }
0x65: {  	_ =	shalt  }
0x66: {  	_ =	shalt  }
0x67: {  	_ =	shalt  }
0x68: {  	_ =	shalt  }
0x69: {  	_ =	shalt  }
0x6a: {  	_ =	shalt  }
0x6b: {  	_ =	shalt  }
0x6c: {  	_ =	shalt  }
0x6d: {  	_ =	shalt  }
0x6e: {  	_ =	shalt  }
0x6f: {  	_ =	shalt  }
0x70: {  	_ =	shalt  }
0x71: {  	_ =	shalt  }
0x72: {  	_ =	shalt  }
0x73: {  	_ =	shalt  }
0x74: {  	_ =	shalt  }
0x75: {  	_ =	shalt  }
0x76: {  	_ =	shalt  }
0x77: {  	_ =	shalt  }
0x78: {  	_ =	shalt  }
0x79: {  	_ =	shalt  }
0x7a: {  	_ =	shalt  }
0x7b: {  	_ =	shalt  }
0x7c: {  	_ =	shalt  }
0x7d: {  	_ =	shalt  }
0x7e: {  	_ =	shalt  }
0x7f: {  	_ =	shalt  }
0x80: {  	_ =	shalt  }
0x81: {  	_ =	shalt  }
0x82: {  	_ =	shalt  }
0x83: {  	_ =	shalt  }
0x84: {  	_ =	shalt  }
0x85: {  	_ =	shalt  }
0x86: {  	_ =	shalt  }
0x87: {  	_ =	shalt  }
.Lfunc_end0:
.L_simem_size_0:
called_computation.1_lowered:
.L_overlay_start_0:
0x88: {  	s2 =	sld [smem:$0x3FD9]  }
0x89: {  	s3 =	sld [smem:$0x3FFE];
	_ =	sdelay $0x1  }
0x8a: {  	s1 =	srdreg.scid  }
0x8b: {  	s0 =	sand.u32 $0x1, s1  }
0x8c: {  	s17 =	sshll.u32 s0, $0xA;
	s2 =	sadd.s32 s3, s2  }
0x8d: {  	s2 =	sadd.s32 s2, s17  }
0x8e: {  	[smem:$0x3FC6] =	sst s2  }
0x8f: {  	_ = 	snop  }
0x90: {  	s2 =	sld [smem:$0x3FC9]  }
0x91: {  	s18 =	sld [smem:$0x3FD0];
	(tm) =	ssettm $0x1  }
0x92: {  	s4 =	sld [smem:$0x3FFB];
	_ =	sdelay $0x3  }
0x93: {  	_ =	strace s4  }
0x94: {  	s4 =	sld [smem:$0x3FFC];
	_ =	sdelay $0x3  }
0x95: {  	_ =	strace s4  }
0x96: {  	s4 =	sld [smem:$0x3FFD];
	_ =	sdelay $0x3  }
0x97: {  	_ =	strace s4  }
0x98: {  	_ =	strace $0x8FFFFFFF  }
0x99: {  	s19 =	sld [smem:$0x3FDB];
	_ =	sdelay $0x1  }
0x9a: {  	s5 =	simm.s32 $_scs_section_size  }
0x9b: {  	s6 =	simm.s32 $_size__tile_overlayer_lowered;
	s7 =	simm.s32 $_tile_overlayer_lowered  }
0x9c: {  	s22 =	simm.s32 $0x1BFF;
	s21 =	sshll.u32 s7, $0x1;
	s4 =	sadd.s32 s5, s19  }
0x9d: {  	s8 =	simm.s32 $0x0;
	s20 =	sshll.u32 s6, $0x1;
	s6 =	sadd.s32 s21, s4  }
0x9e: {  	[timem:s8], [sflag:s22] =	dma.local [hbm:s6], s20  }
0x9f: {  	_ =	swait.ge [sflag:s22], s20  }
0xa0: {  	s5 =	ssub.s32 $0x0, s20;
	[sflag:s22] =	ssyncset.done $0x0  }
0xa1: {  	[sflag:s22] =	ssyncadd.s32 s5;
	_ =	sdelay $0x1  }
0xa2: {  	s23 =	simm.s32 $0x1B8B  }
0xa3: {  	_ =	swait.ge [sflag:s23], $0x1  }
0xa4: {  	[sflag:s23] =	ssyncset.done $0x0  }
0xa5: {  	s25 =	simm.s32 $0x1B8E;
	s24 =	sld [smem:$0x3FFE];
	[sflag:s23] =	ssyncadd.s32 $0xFFFFFFFF  }
0xa6: {  	s26 =	simm.s32 $execute0_lowered;
	[smem:$0x3FD2] =	sst s25  }
0xa7: {  	s6 =	sshll.u32 s26, $0x1;
	_ =	strace $0x80000046;
	[dreg:$0x1] =	wrdreg $0xFFFFFFFF  }
0xa8: {  	s28 =	simm.s32 $_size_execute0_lowered;
	s4 =	sadd.s32 s4, s6;
	[dreg:$0x0] =	wrdreg $0x0  }
0xa9: {  	s6 =	sshll.u32 s28, $0x1;
	[dreg:$0x2] =	wrdreg s4  }
0xaa: {  	[dreg:$0x3] =	wrdreg s6  }
0xab: {  	[dreg:$0x4] =	wrdreg $0xC0  }
0xac: {  	_ =	task [dreg:s8], $0x5FFFF  }
0xad: {  	[dreg:$0x1] =	wrdreg $0xFFFFFFFF  }
0xae: {  	[dreg:$0x0] =	wrdreg $0x60  }
0xaf: {  	[dreg:$0x2] =	wrdreg s2  }
0xb0: {  	[dreg:$0x3] =	wrdreg s24  }
0xb1: {  	[dreg:$0x4] =	wrdreg s18  }
0xb2: {  	[dreg:$0x5] =	wrdreg $0x9  }
0xb3: {  	_ =	task.clear_ibuf [dreg:s8], $0x6FFFF;
	_ =	strace $0x90000046  }
0xb4: {  	s29 =	simm.s32 $0x9;
	_ =	strace $0x80000048  }
0xb5: {  	_ =	swait.ge [sflag:s29], $0x1  }
0xb6: {  	[sflag:s29] =	ssyncadd.s32 $0xFFFFFFFF  }
0xb7: {  	_ =	strace $0x90000048  }
0xb8: {  	_ =	sfence  }
0xb9: {  	s30 =	sld [smem:$0x0];
	_ =	sdelay $0x2  }
0xba: {  	s31 =	sshll.u32 s1, $0xD;
	s1 =	sshrl.u32 s1, $0x2  }
0xbb: {  	s3 =	sand.u32 $0x4000, s31;
	s1 =	sadd.s32 s1, s30  }
0xbc: {  	s0 =	sor.u32 s3, s0;
	s1 =	sshll.u32 s1, $0x11  }
0xbd: {  	s0 =	sor.u32 s1, s0  }
0xbe: {  	s0 =	sadd.s32 $0x8F2B, s0  }
0xbf: {  	[sflag:s0] =	ssyncadd.remote.s32 $0x1  }
0xc0: {  	_ =	sfence.sel $0xFFFF  }
0xc1: {  	[dreg:$0x0] =	wrdreg $0xFFFFFFFF;
	(pc) =	sbr.abs _section_cstart, $3  }
0xc2: {  	[dreg:$0x1] =	wrdreg $0xFFFFFFFF  }
0xc3: {  	_ =	task.clear_ibuf [dreg:s8], $0x2FFFF;
	_ =	strace $0x9FFFFFFF  }
0xc4: {  	(tm) =	ssettm $0x7FFFFFFF  }
0xc5: {  	_ =	shalt  }
tec
execute0_lowered:
.L_overlay_start_1:
0x0: {  	(tag) =	ssettag $0x1  }
0x1: {  	s0 =	rddreg [dreg:$0x0]  }
0x2: {  	s1 =	rddreg [dreg:$0x1];
	s2 =	srdreg.scid  }
0x3: {  	s10 =	stileid.u32;
	s9 =	rddreg [dreg:$0x2]  }
0x4: {  	s12 =	simm.s32 $0x1900;
	s13 =	simm.s32 $0x3900;
	s15 =	simm.s32 $0x5900  }
0x5: {  	s17 =	simm.s32 $0x7900;
	s19 =	simm.s32 $0x9900;
	s23 =	smul.u32 $0x3200, s10  }
0x6: {  	s6 =	sand.u32 $0x1, s2;
	s3 =	sshll.u32 s10, $0x1;
	s10 =	smul.u32 $0x19000, s10  }
0x7: {  	s20 =	simm.s32 $0xB900;
	s21 =	simm.s32 $0xD900;
	s26 =	smul.u32 $0x1900, s6  }
0x8: {  	s2 =	simm.s32 $0x0;
	s3 =	sor.u32 s6, s3;
	s11 =	smul.u32 $0xC800, s6  }
0x9: {  	[smem:$0x7FF] =	sst s2;
	s4 =	ssub.s32 $0x2, s6;
	s5 =	smul.u32 $0x1900, s3  }
0xa: {  	_ =	strace $0x80000047;
	s7 =	sshrl.u32 s4, $0x1;
	s8 =	smul.u32 $0x64000, s3  }
0xb: {  	s3 =	sadd.s32 $0xF42E00, s1;
	s29 =	sadd.s32 s10, s9;
	s10 =	simm.s32 $0x3  }
0xc: {  	s1 =	simm.s32 $0x1880;
	s22 =	ssub.s32 s4, s7;
	s7 =	sadd.s32 s26, s23  }
0xd: {  	s23 =	simm.s32 $0x11900;
	s26 =	simm.s32 $0x2;
	s24 =	sshrl.u32 s5, $0x3  }
0xe: {  	s25 =	sshrl.u32 s8, $0x3;
	s30 =	sshll.u32 s7, $0x3;
	s7 =	smax.u32 s22, $0x1  }
0xf: {  	s8 =	sadd.s32 s11, s29;
	s11 =	simm.s32 $0x80;
	s22 =	simm.s32 $0xF900  }
0x10: {  	s4 =	sadd.s32 s0, s24;
	s28 =	sadd.s32 s9, s25;
	s31 =	sadd.s32 s9, s30  }
0x11: {  	s24 =	simm.s32 $0x13900;
	s25 =	simm.s32 $0x1;
	s0 =	simm.s32 $0x0  }
0x12: {  	s5 =	sadd.s32 $0xA000, s28;
	s6 =	sadd.s32 $0xB400, s28;
	s9 =	sadd.s32 $0x1400, s31  }
.LBB2_1:
0x13: {  	[tilespmem:s2], [sflag:$0x3] =	stream.linear.gather [hbm4b:s4+s2], $0x1900, $0x38;
	[tilespmem:$0x15900] =	vst v63  }
0x14: {  	_ =	swait.ge [sflag:s10], $0x1900  }
0x15: {  	[sflag:s10] =	ssyncset.done $0x0  }
0x16: {  	[sflag:s10] =	ssyncadd.s32 $0xFFFFE700  }
0x17: {  	[tilespmem:s12], [sflag:$0x1] =	stream.indirect.gather [hbm4b:s3+s11], $0x40, s2, s11, $0xb8;
	[tilespmem:$0x15900] =	vst v63  }
0x18: {  	_ = 	snop  }
0x19: {  	[tilespmem:s13], [sflag:$0x1] =	stream.indirect.gather [hbm4b:s3+s11], $0x40, s11, s11, $0xb8;
	[tilespmem:$0x15900] =	vst v63  }
0x1a: {  	s14 =	simm.s32 $0x100  }
0x1b: {  	[tilespmem:s15], [sflag:$0x1] =	stream.indirect.gather [hbm4b:s3+s11], $0x40, s14, s11, $0xb8;
	[tilespmem:$0x15900] =	vst v63  }
0x1c: {  	s30 =	simm.s32 $0x180  }
0x1d: {  	[tilespmem:s17], [sflag:$0x1] =	stream.indirect.gather [hbm4b:s3+s11], $0x40, s30, s11, $0xb8;
	[tilespmem:$0x15900] =	vst v63  }
0x1e: {  	s31 =	simm.s32 $0x200  }
0x1f: {  	[tilespmem:s19], [sflag:$0x1] =	stream.indirect.gather [hbm4b:s3+s11], $0x40, s31, s11, $0xb8;
	[tilespmem:$0x15900] =	vst v63  }
0x20: {  	s16 =	simm.s32 $0x280  }
0x21: {  	[tilespmem:s20], [sflag:$0x2] =	stream.indirect.gather [hbm4b:s3+s11], $0x40, s16, s11, $0xb8;
	[tilespmem:$0x15900] =	vst v63  }
0x22: {  	s18 =	simm.s32 $0x300  }
0x23: {  	[tilespmem:s21], [sflag:$0x2] =	stream.indirect.gather [hbm4b:s3+s11], $0x40, s18, s11, $0xb8;
	[tilespmem:$0x15900] =	vst v63  }
0x24: {  	s29 =	simm.s32 $0x380  }
0x25: {  	[tilespmem:s22], [sflag:$0x2] =	stream.indirect.gather [hbm4b:s3+s11], $0x40, s29, s11, $0xb8;
	[tilespmem:$0x15900] =	vst v63  }
0x26: {  	s30 =	simm.s32 $0x400  }
0x27: {  	[tilespmem:s23], [sflag:$0x2] =	stream.indirect.gather [hbm4b:s3+s11], $0x40, s30, s11, $0xb8;
	[tilespmem:$0x15900] =	vst v63  }
0x28: {  	s31 =	simm.s32 $0x480  }
0x29: {  	[tilespmem:s24], [sflag:$0x2] =	stream.indirect.gather [hbm4b:s3+s11], $0x40, s31, s11, $0xb8;
	[tilespmem:$0x15900] =	vst v63  }
0x2a: {  	_ =	swait.ge [sflag:s25], $0x2000  }
0x2b: {  	[sflag:s25] =	ssyncset.done $0x0  }
0x2c: {  	[sflag:s25] =	ssyncadd.s32 $0xFFFFE000  }
0x2d: {  	_ =	swait.ge [sflag:s25], $0x2000  }
0x2e: {  	[sflag:s25] =	ssyncset.done $0x0  }
0x2f: {  	[sflag:s25] =	ssyncadd.s32 $0xFFFFE000  }
0x30: {  	_ =	swait.ge [sflag:s25], $0x2000  }
0x31: {  	[sflag:s25] =	ssyncset.done $0x0  }
0x32: {  	[sflag:s25] =	ssyncadd.s32 $0xFFFFE000  }
0x33: {  	_ =	swait.ge [sflag:s25], $0x2000  }
0x34: {  	[sflag:s25] =	ssyncset.done $0x0  }
0x35: {  	[sflag:s25] =	ssyncadd.s32 $0xFFFFE000  }
0x36: {  	_ =	swait.ge [sflag:s25], $0x2000  }
0x37: {  	[sflag:s25] =	ssyncset.done $0x0  }
0x38: {  	[sflag:s25] =	ssyncadd.s32 $0xFFFFE000  }
0x39: {  	[hbm4b:s8+s2] =	stream.linear.scatter [tilespmem:s12], [sflag:$0x3], $0xA000, $0x38;
	[tilespmem:$0x15900] =	vst v63  }
0x3a: {  	_ =	swait.ge [sflag:s10], $0xA000  }
0x3b: {  	[sflag:s10] =	ssyncset.done $0x0  }
0x3c: {  	s16 =	simm.s32 $0x500;
	[sflag:s10] =	ssyncadd.s32 $0xFFFF6000  }
0x3d: {  	[tilespmem:s12], [sflag:$0x1] =	stream.indirect.gather [hbm4b:s3+s11], $0x40, s16, s11, $0xb8;
	[tilespmem:$0x15900] =	vst v63  }
0x3e: {  	s18 =	simm.s32 $0x580  }
0x3f: {  	[tilespmem:s13], [sflag:$0x1] =	stream.indirect.gather [hbm4b:s3+s11], $0x40, s18, s11, $0xb8;
	[tilespmem:$0x15900] =	vst v63  }
0x40: {  	s29 =	simm.s32 $0x600  }
0x41: {  	[tilespmem:s15], [sflag:$0x1] =	stream.indirect.gather [hbm4b:s3+s11], $0x40, s29, s11, $0xb8;
	[tilespmem:$0x15900] =	vst v63  }
0x42: {  	s30 =	simm.s32 $0x680  }
0x43: {  	[tilespmem:s17], [sflag:$0x1] =	stream.indirect.gather [hbm4b:s3+s11], $0x40, s30, s11, $0xb8;
	[tilespmem:$0x15900] =	vst v63  }
0x44: {  	s31 =	simm.s32 $0x700  }
0x45: {  	[tilespmem:s19], [sflag:$0x1] =	stream.indirect.gather [hbm4b:s3+s11], $0x40, s31, s11, $0xb8;
	[tilespmem:$0x15900] =	vst v63  }
0x46: {  	_ =	swait.ge [sflag:s26], $0x2000  }
0x47: {  	[sflag:s26] =	ssyncset.done $0x0  }
0x48: {  	[sflag:s26] =	ssyncadd.s32 $0xFFFFE000  }
0x49: {  	_ =	swait.ge [sflag:s26], $0x2000  }
0x4a: {  	[sflag:s26] =	ssyncset.done $0x0  }
0x4b: {  	[sflag:s26] =	ssyncadd.s32 $0xFFFFE000  }
0x4c: {  	_ =	swait.ge [sflag:s26], $0x2000  }
0x4d: {  	[sflag:s26] =	ssyncset.done $0x0  }
0x4e: {  	[sflag:s26] =	ssyncadd.s32 $0xFFFFE000  }
0x4f: {  	_ =	swait.ge [sflag:s26], $0x2000  }
0x50: {  	[sflag:s26] =	ssyncset.done $0x0  }
0x51: {  	[sflag:s26] =	ssyncadd.s32 $0xFFFFE000  }
0x52: {  	_ =	swait.ge [sflag:s26], $0x2000  }
0x53: {  	[sflag:s26] =	ssyncset.done $0x0  }
0x54: {  	[sflag:s26] =	ssyncadd.s32 $0xFFFFE000  }
0x55: {  	[hbm4b:s9+s2] =	stream.linear.scatter [tilespmem:s20], [sflag:$0x3], $0xA000, $0x38;
	[tilespmem:$0x15900] =	vst v63  }
0x56: {  	s28 =	simm.s32 $0x2800;
	s14 =	sadd.s32 $0x2800, s9;
	_ =	swait.ge [sflag:s10], $0xA000  }
0x57: {  	s16 =	sadd.s32 $0x2800, s8;
	s18 =	simm.s32 $0x500;
	[sflag:s10] =	ssyncset.done $0x0  }
.LBB2_2:
0x58: {  	s31 =	sadd.s32 $0x280, s18  }
0x59: {  	[sflag:s10] =	ssyncadd.s32 $0xFFFF6000;
	s29 =	smov.u32 s28;
	s30 =	sadd.s32 $0x1400, s28  }
0x5a: {  	[tilespmem:s20], [sflag:$0x2] =	stream.indirect.gather [hbm4b:s3+s11], $0x40, s31, s11, $0xb8;
	[tilespmem:$0x15900] =	vst v63  }
0x5b: {  	p0 =	sne.s32 s28, $0x3C00;
	s28 =	sadd.s32 $0x300, s18  }
0x5c: {  	[tilespmem:s21], [sflag:$0x2] =	stream.indirect.gather [hbm4b:s3+s11], $0x40, s28, s11, $0xb8;
	[tilespmem:$0x15900] =	vst v63  }
0x5d: {  	s28 =	sadd.s32 $0x380, s18  }
0x5e: {  	[tilespmem:s22], [sflag:$0x2] =	stream.indirect.gather [hbm4b:s3+s11], $0x40, s28, s11, $0xb8;
	[tilespmem:$0x15900] =	vst v63  }
0x5f: {  	s28 =	sadd.s32 $0x400, s18  }
0x60: {  	[tilespmem:s23], [sflag:$0x2] =	stream.indirect.gather [hbm4b:s3+s11], $0x40, s28, s11, $0xb8;
	[tilespmem:$0x15900] =	vst v63  }
0x61: {  	s28 =	sadd.s32 $0x480, s18  }
0x62: {  	[tilespmem:s24], [sflag:$0x2] =	stream.indirect.gather [hbm4b:s3+s11], $0x40, s28, s11, $0xb8;
	[tilespmem:$0x15900] =	vst v63  }
0x63: {  	_ =	swait.ge [sflag:s25], $0x2000  }
0x64: {  	[sflag:s25] =	ssyncset.done $0x0  }
0x65: {  	[sflag:s25] =	ssyncadd.s32 $0xFFFFE000  }
0x66: {  	_ =	swait.ge [sflag:s25], $0x2000  }
0x67: {  	[sflag:s25] =	ssyncset.done $0x0  }
0x68: {  	[sflag:s25] =	ssyncadd.s32 $0xFFFFE000  }
0x69: {  	_ =	swait.ge [sflag:s25], $0x2000  }
0x6a: {  	[sflag:s25] =	ssyncset.done $0x0  }
0x6b: {  	[sflag:s25] =	ssyncadd.s32 $0xFFFFE000  }
0x6c: {  	_ =	swait.ge [sflag:s25], $0x2000  }
0x6d: {  	[sflag:s25] =	ssyncset.done $0x0  }
0x6e: {  	[sflag:s25] =	ssyncadd.s32 $0xFFFFE000  }
0x6f: {  	_ =	swait.ge [sflag:s25], $0x2000  }
0x70: {  	[sflag:s25] =	ssyncset.done $0x0  }
0x71: {  	[sflag:s25] =	ssyncadd.s32 $0xFFFFE000  }
0x72: {  	[hbm4b:s16+s2] =	stream.linear.scatter [tilespmem:s12], [sflag:$0x3], $0xA000, $0x38;
	[tilespmem:$0x15900] =	vst v63  }
0x73: {  	_ =	swait.ge [sflag:s10], $0xA000  }
0x74: {  	[sflag:s10] =	ssyncset.done $0x0  }
0x75: {  	s28 =	sadd.s32 $0x500, s18;
	[sflag:s10] =	ssyncadd.s32 $0xFFFF6000  }
0x76: {  	[tilespmem:s12], [sflag:$0x1] =	stream.indirect.gather [hbm4b:s3+s11], $0x40, s28, s11, $0xb8;
	[tilespmem:$0x15900] =	vst v63  }
0x77: {  	s28 =	sadd.s32 $0x580, s18  }
0x78: {  	[tilespmem:s13], [sflag:$0x1] =	stream.indirect.gather [hbm4b:s3+s11], $0x40, s28, s11, $0xb8;
	[tilespmem:$0x15900] =	vst v63  }
0x79: {  	s28 =	sadd.s32 $0x600, s18  }
0x7a: {  	[tilespmem:s15], [sflag:$0x1] =	stream.indirect.gather [hbm4b:s3+s11], $0x40, s28, s11, $0xb8;
	[tilespmem:$0x15900] =	vst v63  }
0x7b: {  	s28 =	sadd.s32 $0x680, s18  }
0x7c: {  	[tilespmem:s17], [sflag:$0x1] =	stream.indirect.gather [hbm4b:s3+s11], $0x40, s28, s11, $0xb8;
	[tilespmem:$0x15900] =	vst v63  }
0x7d: {  	s18 =	sadd.s32 $0x700, s18  }
0x7e: {  	[tilespmem:s19], [sflag:$0x1] =	stream.indirect.gather [hbm4b:s3+s11], $0x40, s18, s11, $0xb8;
	[tilespmem:$0x15900] =	vst v63  }
0x7f: {  	_ =	swait.ge [sflag:s26], $0x2000  }
0x80: {  	[sflag:s26] =	ssyncset.done $0x0  }
0x81: {  	[sflag:s26] =	ssyncadd.s32 $0xFFFFE000  }
0x82: {  	_ =	swait.ge [sflag:s26], $0x2000  }
0x83: {  	[sflag:s26] =	ssyncset.done $0x0  }
0x84: {  	[sflag:s26] =	ssyncadd.s32 $0xFFFFE000  }
0x85: {  	_ =	swait.ge [sflag:s26], $0x2000  }
0x86: {  	[sflag:s26] =	ssyncset.done $0x0  }
0x87: {  	[sflag:s26] =	ssyncadd.s32 $0xFFFFE000  }
0x88: {  	_ =	swait.ge [sflag:s26], $0x2000  }
0x89: {  	[sflag:s26] =	ssyncset.done $0x0  }
0x8a: {  	[sflag:s26] =	ssyncadd.s32 $0xFFFFE000  }
0x8b: {  	_ =	swait.ge [sflag:s26], $0x2000  }
.Ltmp0:
0x8c: {  	[sflag:s26] =	ssyncset.done $0x0;
	(pc) =	sbr.rel @p0 .LBB2_2-.Ltmp0, $4  }
0x8d: {  	[sflag:s26] =	ssyncadd.s32 $0xFFFFE000  }
0x8e: {  	[hbm4b:s14+s2] =	stream.linear.scatter [tilespmem:s20], [sflag:$0x3], $0xA000, $0x38;
	[tilespmem:$0x15900] =	vst v63  }
0x8f: {  	s16 =	sadd.s32 $0x2800, s16;
	s14 =	sadd.s32 $0x2800, s14;
	_ =	swait.ge [sflag:s10], $0xA000  }
0x90: {  	s28 =	smov.u32 s30;
	s18 =	sshra.s32 s29, $0x2;
	[sflag:s10] =	ssyncset.done $0x0  }
0x91: {  	s28 =	sadd.s32 $0x280, s18;
	[sflag:s10] =	ssyncadd.s32 $0xFFFF6000  }
0x92: {  	[tilespmem:s20], [sflag:$0x2] =	stream.indirect.gather [hbm4b:s3+s11], $0x40, s28, s11, $0xb8;
	[tilespmem:$0x15900] =	vst v63  }
0x93: {  	s31 =	sadd.s32 $0x300, s18  }
0x94: {  	[tilespmem:s21], [sflag:$0x2] =	stream.indirect.gather [hbm4b:s3+s11], $0x40, s31, s11, $0xb8;
	[tilespmem:$0x15900] =	vst v63  }
0x95: {  	s29 =	sadd.s32 $0x380, s18  }
0x96: {  	[tilespmem:s22], [sflag:$0x2] =	stream.indirect.gather [hbm4b:s3+s11], $0x40, s29, s11, $0xb8;
	[tilespmem:$0x15900] =	vst v63  }
0x97: {  	s30 =	sadd.s32 $0x400, s18  }
0x98: {  	[tilespmem:s23], [sflag:$0x2] =	stream.indirect.gather [hbm4b:s3+s11], $0x40, s30, s11, $0xb8;
	[tilespmem:$0x15900] =	vst v63  }
0x99: {  	s31 =	sadd.s32 $0x480, s18  }
0x9a: {  	[tilespmem:s24], [sflag:$0x2] =	stream.indirect.gather [hbm4b:s3+s11], $0x40, s31, s11, $0xb8;
	[tilespmem:$0x15900] =	vst v63  }
0x9b: {  	_ =	swait.ge [sflag:s25], $0x2000  }
0x9c: {  	[sflag:s25] =	ssyncset.done $0x0  }
0x9d: {  	[sflag:s25] =	ssyncadd.s32 $0xFFFFE000  }
0x9e: {  	_ =	swait.ge [sflag:s25], $0x2000  }
0x9f: {  	[sflag:s25] =	ssyncset.done $0x0  }
0xa0: {  	[sflag:s25] =	ssyncadd.s32 $0xFFFFE000  }
0xa1: {  	_ =	swait.ge [sflag:s25], $0x2000  }
0xa2: {  	[sflag:s25] =	ssyncset.done $0x0  }
0xa3: {  	[sflag:s25] =	ssyncadd.s32 $0xFFFFE000  }
0xa4: {  	_ =	swait.ge [sflag:s25], $0x2000  }
0xa5: {  	[sflag:s25] =	ssyncset.done $0x0  }
0xa6: {  	[sflag:s25] =	ssyncadd.s32 $0xFFFFE000  }
0xa7: {  	_ =	swait.ge [sflag:s25], $0x2000  }
0xa8: {  	[sflag:s25] =	ssyncset.done $0x0  }
0xa9: {  	[sflag:s25] =	ssyncadd.s32 $0xFFFFE000  }
0xaa: {  	[hbm4b:s16+s2] =	stream.linear.scatter [tilespmem:s12], [sflag:$0x3], $0xA000, $0x38;
	[tilespmem:$0x15900] =	vst v63  }
0xab: {  	_ =	swait.ge [sflag:s10], $0xA000  }
0xac: {  	[sflag:s10] =	ssyncset.done $0x0  }
0xad: {  	s28 =	sadd.s32 $0x500, s18;
	[sflag:s10] =	ssyncadd.s32 $0xFFFF6000  }
0xae: {  	[tilespmem:s12], [sflag:$0x1] =	stream.indirect.gather [hbm4b:s3+s11], $0x40, s28, s11, $0xb8;
	[tilespmem:$0x15900] =	vst v63  }
0xaf: {  	s29 =	sadd.s32 $0x580, s18  }
0xb0: {  	[tilespmem:s13], [sflag:$0x1] =	stream.indirect.gather [hbm4b:s3+s11], $0x40, s29, s11, $0xb8;
	[tilespmem:$0x15900] =	vst v63  }
0xb1: {  	s30 =	sadd.s32 $0x600, s18  }
0xb2: {  	[tilespmem:s15], [sflag:$0x1] =	stream.indirect.gather [hbm4b:s3+s11], $0x40, s30, s11, $0xb8;
	[tilespmem:$0x15900] =	vst v63  }
0xb3: {  	s31 =	sadd.s32 $0x680, s18  }
0xb4: {  	[tilespmem:s17], [sflag:$0x1] =	stream.indirect.gather [hbm4b:s3+s11], $0x40, s31, s11, $0xb8;
	[tilespmem:$0x15900] =	vst v63  }
0xb5: {  	s18 =	sadd.s32 $0x700, s18  }
0xb6: {  	[tilespmem:s19], [sflag:$0x1] =	stream.indirect.gather [hbm4b:s3+s11], $0x40, s18, s11, $0xb8;
	[tilespmem:$0x15900] =	vst v63  }
0xb7: {  	_ =	swait.ge [sflag:s26], $0x2000  }
0xb8: {  	[sflag:s26] =	ssyncset.done $0x0  }
0xb9: {  	[sflag:s26] =	ssyncadd.s32 $0xFFFFE000  }
0xba: {  	_ =	swait.ge [sflag:s26], $0x2000  }
0xbb: {  	[sflag:s26] =	ssyncset.done $0x0  }
0xbc: {  	[sflag:s26] =	ssyncadd.s32 $0xFFFFE000  }
0xbd: {  	_ =	swait.ge [sflag:s26], $0x2000  }
0xbe: {  	[sflag:s26] =	ssyncset.done $0x0  }
0xbf: {  	[sflag:s26] =	ssyncadd.s32 $0xFFFFE000  }
0xc0: {  	_ =	swait.ge [sflag:s26], $0x2000  }
0xc1: {  	[sflag:s26] =	ssyncset.done $0x0  }
0xc2: {  	[sflag:s26] =	ssyncadd.s32 $0xFFFFE000  }
0xc3: {  	_ =	swait.ge [sflag:s26], $0x2000  }
0xc4: {  	[sflag:s26] =	ssyncset.done $0x0  }
0xc5: {  	[sflag:s26] =	ssyncadd.s32 $0xFFFFE000  }
0xc6: {  	[hbm4b:s14+s2] =	stream.linear.scatter [tilespmem:s20], [sflag:$0x3], $0xA000, $0x38;
	[tilespmem:$0x15900] =	vst v63  }
0xc7: {  	_ =	swait.ge [sflag:s10], $0xA000  }
0xc8: {  	[sflag:s10] =	ssyncset.done $0x0  }
0xc9: {  	s28 =	simm.s32 $0x1680;
	[sflag:s10] =	ssyncadd.s32 $0xFFFF6000  }
0xca: {  	[tilespmem:s20], [sflag:$0x2] =	stream.indirect.gather [hbm4b:s3+s11], $0x40, s28, s11, $0xb8;
	[tilespmem:$0x15900] =	vst v63  }
0xcb: {  	s29 =	simm.s32 $0x1700  }
0xcc: {  	[tilespmem:s21], [sflag:$0x2] =	stream.indirect.gather [hbm4b:s3+s11], $0x40, s29, s11, $0xb8;
	[tilespmem:$0x15900] =	vst v63  }
0xcd: {  	s30 =	simm.s32 $0x1780  }
0xce: {  	[tilespmem:s22], [sflag:$0x2] =	stream.indirect.gather [hbm4b:s3+s11], $0x40, s30, s11, $0xb8;
	[tilespmem:$0x15900] =	vst v63  }
0xcf: {  	s31 =	simm.s32 $0x1800  }
0xd0: {  	[tilespmem:s23], [sflag:$0x2] =	stream.indirect.gather [hbm4b:s3+s11], $0x40, s31, s11, $0xb8;
	[tilespmem:$0x15900] =	vst v63  }
0xd1: {  	_ = 	snop  }
0xd2: {  	[tilespmem:s24], [sflag:$0x2] =	stream.indirect.gather [hbm4b:s3+s11], $0x40, s1, s11, $0xb8;
	[tilespmem:$0x15900] =	vst v63  }
0xd3: {  	_ =	swait.ge [sflag:s25], $0x2000  }
0xd4: {  	[sflag:s25] =	ssyncset.done $0x0  }
0xd5: {  	[sflag:s25] =	ssyncadd.s32 $0xFFFFE000  }
0xd6: {  	_ =	swait.ge [sflag:s25], $0x2000  }
0xd7: {  	[sflag:s25] =	ssyncset.done $0x0  }
0xd8: {  	[sflag:s25] =	ssyncadd.s32 $0xFFFFE000  }
0xd9: {  	_ =	swait.ge [sflag:s25], $0x2000  }
0xda: {  	[sflag:s25] =	ssyncset.done $0x0  }
0xdb: {  	[sflag:s25] =	ssyncadd.s32 $0xFFFFE000  }
0xdc: {  	_ =	swait.ge [sflag:s25], $0x2000  }
0xdd: {  	[sflag:s25] =	ssyncset.done $0x0  }
0xde: {  	[sflag:s25] =	ssyncadd.s32 $0xFFFFE000  }
0xdf: {  	_ =	swait.ge [sflag:s25], $0x2000  }
0xe0: {  	[sflag:s25] =	ssyncset.done $0x0  }
0xe1: {  	[sflag:s25] =	ssyncadd.s32 $0xFFFFE000  }
0xe2: {  	[hbm4b:s5+s2] =	stream.linear.scatter [tilespmem:s12], [sflag:$0x3], $0xA000, $0x38;
	[tilespmem:$0x15900] =	vst v63  }
0xe3: {  	_ =	swait.ge [sflag:s10], $0xA000  }
0xe4: {  	[sflag:s10] =	ssyncset.done $0x0  }
0xe5: {  	[sflag:s10] =	ssyncadd.s32 $0xFFFF6000  }
0xe6: {  	_ =	swait.ge [sflag:s26], $0x2000  }
0xe7: {  	[sflag:s26] =	ssyncset.done $0x0  }
0xe8: {  	[sflag:s26] =	ssyncadd.s32 $0xFFFFE000  }
0xe9: {  	_ =	swait.ge [sflag:s26], $0x2000  }
0xea: {  	[sflag:s26] =	ssyncset.done $0x0  }
0xeb: {  	[sflag:s26] =	ssyncadd.s32 $0xFFFFE000  }
0xec: {  	_ =	swait.ge [sflag:s26], $0x2000  }
0xed: {  	[sflag:s26] =	ssyncset.done $0x0  }
0xee: {  	[sflag:s26] =	ssyncadd.s32 $0xFFFFE000  }
0xef: {  	_ =	swait.ge [sflag:s26], $0x2000  }
0xf0: {  	[sflag:s26] =	ssyncset.done $0x0  }
0xf1: {  	[sflag:s26] =	ssyncadd.s32 $0xFFFFE000  }
0xf2: {  	s0 =	sadd.s32 $0x1, s0;
	_ =	swait.ge [sflag:s26], $0x2000  }
0xf3: {  	p0 =	sne.s32 s0, s7;
	[sflag:s26] =	ssyncset.done $0x0  }
.Ltmp1:
0xf4: {  	[sflag:s26] =	ssyncadd.s32 $0xFFFFE000;
	(pc) =	sbr.rel @p0 .LBB2_1-.Ltmp1, $4  }
0xf5: {  	[hbm4b:s6+s2] =	stream.linear.scatter [tilespmem:s20], [sflag:$0x3], $0xA000, $0x38;
	[tilespmem:$0x15900] =	vst v63  }
0xf6: {  	_ =	swait.ge [sflag:s10], $0xA000  }
0xf7: {  	[sflag:s10] =	ssyncset.done $0x0  }
0xf8: {  	[sflag:s10] =	ssyncadd.s32 $0xFFFF6000  }
0xf9: {  	_ =	sfence.sel $0x180000  }
0xfa: {  	[bflag:$0x0] =	sbarrier.arrive $0xFFFF  }
0xfb: {  	_ =	strace $0x90000047  }
0xfc: {  	s0 =	stileid.u32;
	[bflag:$0x2] =	sbarrier.arrive $0xFFFF  }
0xfd: {  	p0 =	sne.s32 s0, $0x0;
	s0 =	rddreg [dreg:$0x3]  }
0xfe: {  	s0 =	sadd.s32 @!p0 $0x100000, s0  }
0xff: {  	[sflag:s0] =	ssyncadd.tile.s32 @!p0 $0x1;
	_ =	shalt  }
.Lfunc_end2:
_tile_overlayer_lowered:
.L_overlay_start_2:
0x100: {  	(tag) =	ssettag $0x2  }
0x101: {  	s0 =	rddreg [dreg:$0x0];
	s2 =	stileid.u32  }
0x102: {  	s1 =	rddreg [dreg:$0x1];
	p0 =	sne.s32 s2, $0x0  }
0x103: {  	s3 =	rddreg [dreg:$0x2];
	[bflag:$0x3] =	sbarrier.arrive $0xFFFF;
	s2 =	simm.s32 @!p0 $0x1C03  }
0x104: {  	[timem:s3], [sflag:s2] =	dma.local @!p0 [hbm:s0], s1  }
0x105: {  	s0 =	simm.s32 @!p0 $0x3  }
0x106: {  	_ =	swait.ge @!p0 [sflag:s0], s1  }
0x107: {  	s1 =	ssub.s32 @!p0 $0x0, s1;
	[sflag:s0] =	ssyncset.done @!p0 $0x0  }
0x108: {  	[sflag:s0] =	ssyncadd.s32 @!p0 s1  }
0x109: {  	[bflag:$0x3] =	sbarrier.arrive $0xFFFF  }
0x10a: {  	_ =	shalt  }

// kernel: sparse-core-data-format-call.cloned.1.call-start
scs
called_computation_lowered:
.L_overlay_start_0:
0x0: {  	s2 =	sld [smem:$0x3FD9]  }
0x1: {  	s3 =	sld [smem:$0x3FFE];
	_ =	sdelay $0x1  }
0x2: {  	s1 =	srdreg.scid  }
0x3: {  	s0 =	sand.u32 $0x1, s1  }
0x4: {  	s18 =	sshll.u32 s0, $0xA;
	s2 =	sadd.s32 s3, s2  }
0x5: {  	s2 =	sadd.s32 s2, s18  }
0x6: {  	[smem:$0x3FC6] =	sst s2  }
0x7: {  	_ = 	snop  }
0x8: {  	s2 =	sld [smem:$0x3FD0];
	(tm) =	ssettm $0x1  }
0x9: {  	s19 =	sld [smem:$0x3FFB];
	_ =	sdelay $0x3  }
0xa: {  	_ =	strace s19  }
0xb: {  	s3 =	sld [smem:$0x3FFC];
	_ =	sdelay $0x3  }
0xc: {  	_ =	strace s3  }
0xd: {  	s3 =	sld [smem:$0x3FFD];
	_ =	sdelay $0x3  }
0xe: {  	_ =	strace s3  }
0xf: {  	_ =	strace $0x8FFFFFFF  }
0x10: {  	s20 =	sld [smem:$0x3FDB];
	_ =	sdelay $0x1  }
0x11: {  	s4 =	simm.s32 $_scs_section_size  }
0x12: {  	s5 =	simm.s32 $_size__tile_overlayer_lowered;
	s6 =	simm.s32 $_tile_overlayer_lowered  }
0x13: {  	s23 =	simm.s32 $0x1BFF;
	s22 =	sshll.u32 s6, $0x1;
	s3 =	sadd.s32 s4, s20  }
0x14: {  	s7 =	simm.s32 $0x0;
	s21 =	sshll.u32 s5, $0x1;
	s5 =	sadd.s32 s22, s3  }
0x15: {  	[timem:s7], [sflag:s23] =	dma.local [hbm:s5], s21  }
0x16: {  	_ =	swait.ge [sflag:s23], s21  }
0x17: {  	s4 =	ssub.s32 $0x0, s21;
	[sflag:s23] =	ssyncset.done $0x0  }
0x18: {  	[sflag:s23] =	ssyncadd.s32 s4;
	_ =	sdelay $0x1  }
0x19: {  	s24 =	simm.s32 $0x1B8B  }
0x1a: {  	_ =	swait.ge [sflag:s24], $0x1  }
0x1b: {  	[sflag:s24] =	ssyncset.done $0x0  }
0x1c: {  	s26 =	simm.s32 $0x1B8E;
	s25 =	sld [smem:$0x3FFE];
	[sflag:s24] =	ssyncadd.s32 $0xFFFFFFFF  }
0x1d: {  	s27 =	simm.s32 $execute0_lowered;
	[smem:$0x3FD2] =	sst s26  }
0x1e: {  	s5 =	sshll.u32 s27, $0x1;
	_ =	strace $0x80000049;
	[dreg:$0x1] =	wrdreg $0xFFFFFFFF  }
0x1f: {  	s28 =	simm.s32 $_size_execute0_lowered;
	s3 =	sadd.s32 s3, s5;
	[dreg:$0x0] =	wrdreg $0x0  }
0x20: {  	s5 =	sshll.u32 s28, $0x1;
	[dreg:$0x2] =	wrdreg s3  }
0x21: {  	[dreg:$0x3] =	wrdreg s5  }
0x22: {  	[dreg:$0x4] =	wrdreg $0xC0  }
0x23: {  	_ =	task [dreg:s7], $0x5FFFF  }
0x24: {  	[dreg:$0x1] =	wrdreg $0xFFFFFFFF  }
0x25: {  	[dreg:$0x0] =	wrdreg $0x60  }
0x26: {  	[dreg:$0x2] =	wrdreg s25  }
0x27: {  	[dreg:$0x3] =	wrdreg s2  }
0x28: {  	[dreg:$0x4] =	wrdreg $0x9  }
0x29: {  	_ =	task.clear_ibuf [dreg:s7], $0x5FFFF;
	_ =	strace $0x90000049  }
0x2a: {  	s29 =	simm.s32 $0x9;
	_ =	strace $0x8000004B  }
0x2b: {  	_ =	swait.ge [sflag:s29], $0x1  }
0x2c: {  	[sflag:s29] =	ssyncadd.s32 $0xFFFFFFFF  }
0x2d: {  	_ =	strace $0x9000004B  }
0x2e: {  	_ =	sfence  }
0x2f: {  	s30 =	sld [smem:$0x0];
	_ =	sdelay $0x2  }
0x30: {  	s31 =	sshll.u32 s1, $0xD;
	s1 =	sshrl.u32 s1, $0x2  }
0x31: {  	s3 =	sand.u32 $0x4000, s31;
	s1 =	sadd.s32 s1, s30  }
0x32: {  	s0 =	sor.u32 s3, s0;
	s1 =	sshll.u32 s1, $0x11  }
0x33: {  	s0 =	sor.u32 s1, s0  }
0x34: {  	s0 =	sadd.s32 $0x8F2B, s0  }
0x35: {  	[sflag:s0] =	ssyncadd.remote.s32 $0x1  }
0x36: {  	_ =	sfence.sel $0xFFFF  }
0x37: {  	[dreg:$0x0] =	wrdreg $0xFFFFFFFF;
	(pc) =	sbr.abs _section_cstart, $3  }
0x38: {  	[dreg:$0x1] =	wrdreg $0xFFFFFFFF  }
0x39: {  	_ =	task.clear_ibuf [dreg:s7], $0x2FFFF;
	_ =	strace $0x9FFFFFFF  }
0x3a: {  	(tm) =	ssettm $0x7FFFFFFF  }
0x3b: {  	_ =	shalt  }
tec
execute0_lowered:
.L_overlay_start_1:
0x0: {  	(tag) =	ssettag $0x1  }
0x1: {  	s0 =	srdreg.scid  }
0x2: {  	s1 =	sshll.u32 s0, $0x4  }
0x3: {  	s4 =	rddreg [dreg:$0x0];
	s0 =	stileid.u32;
	s1 =	sand.u32 $0x10, s1  }
0x4: {  	s2 =	rddreg [dreg:$0x1];
	s7 =	simm.s32 $0x1;
	s1 =	sor.u32 s0, s1  }
0x5: {  	s8 =	simm.s32 $0x2;
	s11 =	simm.s32 $0x0;
	s3 =	sshll.u32 s1, $0x7  }
0x6: {  	s10 =	simm.s32 $0x0;
	s4 =	sadd.s32 $0x800, s4;
	s6 =	ssub.s32 $0x32000, s3  }
.Ltmp0:
0x7: {  	s1 =	rddreg [dreg:$0x2];
	s5 =	sand.u32 $0xF80, s6;
	(pc) =	sbr.rel .LBB1_1-.Ltmp0, $4  }
0x8: {  	_ =	strace $0x8000004A;
	s9 =	smov.u32 s3;
	p0 =	sne.s32 s5, $0x0  }
0x9: {  	s6 =	sshrl.u32 s6, $0xC;
	s5 =	simm.s32 $0x1;
	s7 =	simm.s32 @!p0 $0x0  }
0xa: {  	[sflag:s5] =	ssyncpa.u1 $0x0;
	p0 =	por $0x0, $0x0;
	s6 =	sadd.s32 s7, s6  }
0xb: {  	[sflag:s8] =	ssyncpa.u1 $0x0;
	s8 =	simm.s32 $0x190000;
	s7 =	sadd.s32 $0x1, s6  }
.LBB1_4:
0xc: {  	s14 =	sshll.u32 s11, $0x3  }
0xd: {  	s30 =	sand.u32 $0x7F, s11;
	s15 =	sand.u32 $0xFFFFFC00, s14  }
0xe: {  	s11 =	sor.u32 s30, s15  }
0xf: {  	s15 =	smulhi.u32 $0x51EB851F, s11  }
0x10: {  	s14 =	smulhi.u32 $0x51EB851F, s14  }
0x11: {  	s15 =	sshrl.u32 s15, $0x10  }
0x12: {  	s14 =	sshrl.u32 s14, $0x10;
	s15 =	smul.u32 $0x32000, s15  }
0x13: {  	s14 =	sand.u32 $0x3F, s14  }
0x14: {  	s14 =	smul.u32 $0x6400, s14;
	s11 =	ssub.s32 s11, s15  }
0x15: {  	[tilespmem:s13+$0x810 ss:$0x81] =	vst.msk $0xffff, v2;
	s15 =	sand.u32 $0x7, s11  }
0x16: {  	[tilespmem:s13+$0x1020 ss:$0x81] =	vst.msk $0xffff, v0;
	s14 =	sadd.s32 s2, s14;
	s11 =	sshrl.u32 s11, $0x3;
	s15 =	sshll.u32 s15, $0x12  }
0x17: {  	[tilespmem:s13+$0x0 ss:$0x81] =	vst.msk $0xffff, v1;
	s11 =	sadd.s32 s11, s14;
	s31 =	sor.u32 $0x400, s15  }
0x18: {  	[hbm4b:s11+s31] =	stream.strided.scatter [tilespmem:s12], [sflag:$0x2], $0x2000, s8, s31, $0x20;
	[tilespmem:$0x8080] =	vst v63  }
.LBB1_5:
0x19: {  	s13 =	sadd.s32 $0x1000, s9  }
0x1a: {  	p2 =	sgt.s32 s13, $0x31FFF  }
0x1b: {  	s13 =	smov.u32 @p2 s3;
	p2 =	sne.s32 s10, s7  }
.Ltmp1:
0x1c: {  	p1 =	slt.u32 s10, $0x2;
	(pc) =	sbr.rel @!p2 .LBB1_6-.Ltmp1, $4  }
0x1d: {  	s12 =	simm.s32 @!p1 $0x2  }
0x1e: {  	s14 =	sadd.s32 $0x1, s10;
	_ =	swait.ge @!p1 [sflag:s12], $0x2000  }
0x1f: {  	s11 =	smov.u32 s9;
	p0 =	por !p0, !p0;
	[sflag:s12] =	ssyncset.done @!p1 $0x0  }
0x20: {  	s10 =	smov.u32 s14;
	s9 =	smov.u32 s13;
	[sflag:s12] =	ssyncadd.s32 @!p1 $0xFFFFE000  }
.LBB1_1:
0x21: {  	p1 =	sge.u32 s10, s6  }
0x22: {  	s12 =	sand.u32 @!p1 $0x1FFFFFF, s9  }
0x23: {  	s13 =	smulhi.u32 @!p1 $0x147AE15, s12;
	_ =	sdelay $0x1  }
0x24: {  	s13 =	sshrl.u32 @!p1 s13, $0xA  }
0x25: {  	s13 =	smul.u32 @!p1 $0x32000, s13;
	_ =	sdelay $0x1  }
0x26: {  	s31 =	sadd.s32 $0xFFFFFFFF, s10;
	s14 =	sxor.u32 @!p1 $0xFFFFFFFF, s10;
	s12 =	ssub.s32 @!p1 s12, s13  }
0x27: {  	s15 =	simm.s32 @!p1 $0x80;
	s14 =	sshll.u32 @!p1 s14, $0xD;
	s12 =	sshll.u32 @!p1 s12, $0x4  }
0x28: {  	s13 =	sand.u32 @!p1 $0x2000, s14;
	s14 =	simm.s32 @!p1 $0x40;
	s12 =	sadd.s32 @!p1 s4, s12  }
0x29: {  	[tilespmem:s13], [sflag:$0x1] =	stream.strided.gather @!p1 [hbm4b:s12+s14], $0x2000, s15, s14, $0x38;
	[tilespmem:$0x8080] =	vst v63  }
0x2a: {  	p1 =	sge.u32 s31, s6  }
.Ltmp2:
0x2b: {  	_ = 	snop;
	(pc) =	sbr.rel @p1 .LBB1_5-.Ltmp2, $1  }
0x2c: {  	_ =	sdelay $0x3  }
0x2d: {  	s12 =	simm.s32 $0x1  }
0x2e: {  	_ =	swait.ge [sflag:s5], $0x2000;
	s12 =	simm.s32 @!p0 $0x0  }
0x2f: {  	[sflag:s5] =	ssyncset.done $0x0;
	s13 =	sshll.u32 s12, $0xD  }
0x30: {  	[sflag:s5] =	ssyncadd.s32 $0xFFFFE000;
	s16 =	sor.u32 $0x20, s13  }
0x31: {  	s12 =	smul.u32 $0x8100, s12;
	v3 =	vld [tilespmem:s16+$0x10]  }
0x32: {  	s30 =	sand.u32 $0x1, s10;
	v2 =	vld [tilespmem:s16+$0xFFFFFFF0]  }
0x33: {  	s13 =	smul.u32 $0x8100, s30;
	s12 =	sshrl.u32 s12, $0x2;
	v0 =	vld [tilespmem:s16+$0x0]  }
0x34: {  	v1 =	vld [tilespmem:s16+$0xFFFFFFE0];
	s14 =	sor.u32 $0x4000, s12  }
0x35: {  	s31 =	sshrl.u32 s13, $0x2;
	s13 =	sadd.s32 $0x0, s14  }
0x36: {  	s15 =	simm.s32 $0x4;
	s16 =	sadd.s32 $0x40, s16;
	s12 =	sor.u32 $0x4000, s31;
	[tilespmem:s13+$0x1830 ss:$0x81] =	vst.msk $0xffff, v3  }
.LBB1_3:
0x37: {  	v3 =	vld [tilespmem:s16+$0x10];
	p1 =	sne.s32 s15, $0x1FC;
	[tilespmem:s13+$0x810 ss:$0x81] =	vst.msk $0xffff, v2;
	s17 =	smov.u32 s15;
	s15 =	sadd.s32 $0x4, s15  }
.Ltmp3:
0x38: {  	v2 =	vld [tilespmem:s16+$0xFFFFFFF0];
	[tilespmem:s13+$0x1020 ss:$0x81] =	vst.msk $0xffff, v0;
	(pc) =	sbr.rel @p1 .LBB1_3-.Ltmp3, $4  }
0x39: {  	v0 =	vld [tilespmem:s16+$0x0];
	[tilespmem:s13+$0x0 ss:$0x81] =	vst.msk $0xffff, v1  }
0x3a: {  	s13 =	sshra.s32 s17, $0x2;
	v1 =	vld [tilespmem:s16+$0xFFFFFFE0]  }
0x3b: {  	s13 =	sadd.s32 s13, s14  }
0x3c: {  	s16 =	sadd.s32 $0x40, s16;
	[tilespmem:s13+$0x1830 ss:$0x81] =	vst.msk $0xffff, v3  }
.Ltmp4:
0x3d: {  	_ = 	snop;
	(pc) =	sbr.rel .LBB1_4-.Ltmp4, $1  }
0x3e: {  	_ =	sdelay $0x3  }
.LBB1_6:
0x3f: {  	_ =	sfence.sel $0x180000  }
0x40: {  	s2 =	simm.s32 $0x1;
	[bflag:$0x0] =	sbarrier.arrive $0xFFFF  }
0x41: {  	s31 =	simm.s32 $0x2;
	[sflag:s2] =	ssyncpa.u1 $0x1  }
0x42: {  	[sflag:s31] =	ssyncpa.u1 $0x1  }
0x43: {  	p0 =	sne.s32 s0, $0x0;
	_ =	strace $0x9000004A  }
0x44: {  	s0 =	sadd.s32 @!p0 $0x100000, s1;
	[bflag:$0x2] =	sbarrier.arrive $0xFFFF  }
0x45: {  	[sflag:s0] =	ssyncadd.tile.s32 @!p0 $0x1;
	_ =	shalt  }
.Lfunc_end1:
_tile_overlayer_lowered:
.L_overlay_start_2:
0x46: {  	(tag) =	ssettag $0x2  }
0x47: {  	s0 =	rddreg [dreg:$0x0];
	s2 =	stileid.u32  }
0x48: {  	s1 =	rddreg [dreg:$0x1];
	p0 =	sne.s32 s2, $0x0  }
0x49: {  	s3 =	rddreg [dreg:$0x2];
	[bflag:$0x3] =	sbarrier.arrive $0xFFFF;
	s2 =	simm.s32 @!p0 $0x1C01  }
0x4a: {  	[timem:s3], [sflag:s2] =	dma.local @!p0 [hbm:s0], s1  }
0x4b: {  	s0 =	simm.s32 @!p0 $0x1  }
0x4c: {  	_ =	swait.ge @!p0 [sflag:s0], s1  }
0x4d: {  	s1 =	ssub.s32 @!p0 $0x0, s1;
	[sflag:s0] =	ssyncset.done @!p0 $0x0  }
0x4e: {  	[sflag:s0] =	ssyncadd.s32 @!p0 s1  }
0x4f: {  	[bflag:$0x3] =	sbarrier.arrive $0xFFFF  }
0x50: {  	_ =	shalt  }

</sc_bundles>
